<compile_context>
chip_gen: v7x
topology: tpu7x:2x2x1
jax: 0.10.2.dev20260603
libtpu: 0.0.44.dev20260713+nightly
codegen_flags: <defaults>
</compile_context>

<pallas_src>
import functools

import jax
import jax.numpy as jnp
from jax import lax
from jax.experimental import pallas as pl
from jax.experimental.pallas import tpu as pltpu
from jax.experimental.pallas import tpu_sc as plsc

N = 10000
D = 128
G = 64
L = 3
BN_EPS = 1e-5

NC = 2
NS = 16
NW = NC * NS
CHUNK = 128
BLK = 1000
NBLK = N // BLK
N_ACC = 10240
ROWS_PER_TILE = N_ACC // NS
ZCOPY = 128
CPW0 = 97
CPW1 = 60
DEAD = N


def _make_agg():
    mesh = plsc.VectorSubcoreMesh(core_axis_name="c", subcore_axis_name="s")

    @functools.partial(
        pl.kernel,
        out_type=jax.ShapeDtypeStruct((NC, N_ACC, D), jnp.float32),
        mesh=mesh,
        scratch_types=[
            pltpu.VMEM((CPW0, CHUNK), jnp.int32),
            pltpu.VMEM((CPW0, CHUNK), jnp.int32),
            pltpu.VMEM((CHUNK, D), jnp.float32),
            pltpu.VMEM_SHARED((N_ACC, D), jnp.float32),
            pltpu.SemaphoreType.DMA,
        ],
    )
    def agg(z_hbm, src_hbm, dst_hbm, out_hbm, src_v, dst_v, b0, acc_sh, gsem):
        c = lax.axis_index("c")
        s = lax.axis_index("s")
        row = c * NS + s
        n_c = lax.select(c == 0, jnp.int32(CPW0), jnp.int32(CPW1))

        def zrow(r, carry):
            for k in range(D // 16):
                b0[r, pl.ds(k * 16, 16)] = jnp.zeros((16,), jnp.float32)
            return carry
        lax.fori_loop(0, CHUNK, zrow, 0)
        base = s * ROWS_PER_TILE
        for k in range(ROWS_PER_TILE // ZCOPY):
            pltpu.sync_copy(b0.at[pl.ds(0, ZCOPY)],
                            acc_sh.at[pl.ds(base + k * ZCOPY, ZCOPY)])
        plsc.subcore_barrier()

        pltpu.sync_copy(src_hbm.at[row], src_v)
        pltpu.sync_copy(dst_hbm.at[row], dst_v)

        def body(j, carry):
            pltpu.async_copy(z_hbm.at[src_v.at[j]], b0, gsem).wait()
            pltpu.sync_copy(b0, acc_sh.at[dst_v.at[j]], add=True)
            return carry
        lax.fori_loop(0, n_c, body, 0)
        plsc.subcore_barrier()

        pltpu.sync_copy(acc_sh.at[pl.ds(base, ROWS_PER_TILE)],
                        out_hbm.at[c, pl.ds(base, ROWS_PER_TILE)])

    return agg


def _mlp_body(last: bool, z_ref, parts_ref, bt_ref, w1_ref, b1_ref, w2_ref,
              b2_ref, h_ref, g_ref):
    h = z_ref[...] + parts_ref[0] + parts_ref[1]
    h = jnp.maximum(
        jnp.dot(h, w1_ref[...], preferred_element_type=jnp.float32) + b1_ref[...],
        0.0)
    h = jnp.dot(h, w2_ref[...], preferred_element_type=jnp.float32) + b2_ref[...]
    if not last:
        h = jnp.maximum(h, 0.0)
    h_ref[...] = h

    b = bt_ref[0, 0, :]
    oh_t = (lax.broadcasted_iota(jnp.int32, (G, BLK), 0) == b[None, :]
            ).astype(jnp.float32)
    gpart = jnp.dot(oh_t, h, preferred_element_type=jnp.float32)

    @pl.when(pl.program_id(0) == 0)
    def _():
        g_ref[...] = jnp.zeros_like(g_ref)
    g_ref[...] += gpart


def _make_mlp(last: bool):
    return pl.pallas_call(
        functools.partial(_mlp_body, last),
        grid=(NBLK,),
        in_specs=[
            pl.BlockSpec((BLK, D), lambda i: (i, 0)),
            pl.BlockSpec((NC, BLK, D), lambda i: (0, i, 0)),
            pl.BlockSpec((1, 1, BLK), lambda i: (i, 0, 0)),
            pl.BlockSpec((D, D), lambda i: (0, 0)),
            pl.BlockSpec((1, D), lambda i: (0, 0)),
            pl.BlockSpec((D, D), lambda i: (0, 0)),
            pl.BlockSpec((1, D), lambda i: (0, 0)),
        ],
        out_specs=[
            pl.BlockSpec((BLK, D), lambda i: (i, 0)),
            pl.BlockSpec((G, D), lambda i: (0, 0)),
        ],
        out_shape=[
            jax.ShapeDtypeStruct((N, D), jnp.float32),
            jax.ShapeDtypeStruct((G, D), jnp.float32),
        ],
    )


def kernel(x, edge_index, batch,
           W1_0, b1_0, W2_0, b2_0, gamma_0, beta_0,
           W1_1, b1_1, W2_1, b2_1, gamma_1, beta_1,
           W1_2, b1_2, W2_2, b2_2, gamma_2, beta_2):
    params = [
        (W1_0, b1_0, W2_0, b2_0, gamma_0, beta_0),
        (W1_1, b1_1, W2_1, b2_1, gamma_1, beta_1),
        (W1_2, b1_2, W2_2, b2_2, gamma_2, beta_2),
    ]
    e = edge_index.shape[1]
    e_pad = NS * (CPW0 + CPW1) * CHUNK
    assert e_pad >= e
    pad_cols = jnp.broadcast_to(
        jnp.array([[0], [DEAD]], jnp.int32), (2, e_pad - e))
    ei = jnp.concatenate([edge_index, pad_cols], axis=1)
    split = NS * CPW0 * CHUNK
    slot_pad = jnp.zeros((NS, CPW0 - CPW1, CHUNK), jnp.int32)

    def pools(flat):
        p0 = flat[:split].reshape(NS, CPW0, CHUNK)
        p1 = flat[split:].reshape(NS, CPW1, CHUNK)
        return jnp.concatenate(
            [p0, jnp.concatenate([p1, slot_pad], axis=1)], axis=0)
    src_w = pools(ei[0])
    dst_w = pools(ei[1])
    batch3 = batch.reshape(NBLK, 1, BLK)

    agg_fn = _make_agg()
    mlp_mid = _make_mlp(last=False)
    mlp_last = _make_mlp(last=True)

    z = x
    zs, gs = [], []
    for l in range(L):
        W1, b1, W2, b2, gamma, beta = params[l]
        scale = gamma / jnp.sqrt(1.0 + BN_EPS)
        w2f = W2 * scale[None, :]
        b2f = (b2 * scale + beta).reshape(1, D)
        b1r = b1.reshape(1, D)

        parts = agg_fn(z, src_w, dst_w)
        mlp = mlp_last if l == L - 1 else mlp_mid
        h, g = mlp(z, parts, batch3, W1, b1r, w2f, b2f)
        zs.append(h)
        gs.append(g)
        z = h

    return (jnp.concatenate(zs, axis=1), jnp.concatenate(gs, axis=1))

# --- scband reference (transcript-rebuilt; emitter-appended) ---
"""Pipeline reference for scband-gconv-15118284882190 (READ-ONLY COPY).

The authoritative reference and input builder live on the scoring server;
editing this copy changes nothing except your own understanding.
"""

import jax, jax.numpy as jnp
import numpy as np

N = 10000
E = 320000
D = 128
H = 128
L = 3
G = 64
BN_EPS = 1e-5


def setup_inputs(seed: int = 0) -> dict:
    key = jax.random.key(seed)
    ks = jax.random.split(key, 4 + 6 * L)
    inp = {}
    inp["x"] = jax.random.normal(ks[0], (N, D), dtype=jnp.float32)
    inp["edge_index"] = jax.random.randint(ks[1], (2, E), 0, N, dtype=jnp.int32)
    inp["batch"] = jnp.sort(jax.random.randint(ks[2], (N,), 0, G, dtype=jnp.int32))
    for l in range(L):
        din = D if l == 0 else H
        base = 3 + 6 * l
        inp[f"W1_{l}"] = jax.random.normal(ks[base + 0], (din, H), dtype=jnp.float32) / np.sqrt(din)
        inp[f"b1_{l}"] = jnp.zeros((H,), dtype=jnp.float32)
        inp[f"W2_{l}"] = jax.random.normal(ks[base + 1], (H, H), dtype=jnp.float32) / np.sqrt(H)
        inp[f"b2_{l}"] = jnp.zeros((H,), dtype=jnp.float32)
        inp[f"gamma_{l}"] = jnp.ones((H,), dtype=jnp.float32)
        inp[f"beta_{l}"] = jnp.zeros((H,), dtype=jnp.float32)
    return inp


def reference(x, edge_index, batch,
              W1_0, b1_0, W2_0, b2_0, gamma_0, beta_0,
              W1_1, b1_1, W2_1, b2_1, gamma_1, beta_1,
              W1_2, b1_2, W2_2, b2_2, gamma_2, beta_2):
    params = [
        (W1_0, b1_0, W2_0, b2_0, gamma_0, beta_0),
        (W1_1, b1_1, W2_1, b2_1, gamma_1, beta_1),
        (W1_2, b1_2, W2_2, b2_2, gamma_2, beta_2),
    ]
    src = edge_index[0]
    dst = edge_index[1]
    z = x
    zs = []
    for l in range(L):
        W1, b1, W2, b2, gamma, beta = params[l]
        # GINConv with eps=0: h = MLP((1+eps)*z + sum_{j in N(i)} z_j)
        agg = jnp.zeros((N, z.shape[1]), dtype=z.dtype).at[dst].add(z[src])
        h = z + agg
        h = jnp.maximum(h @ W1 + b1, 0.0) @ W2 + b2
        # BatchNorm1d in eval mode: running_mean=0, running_var=1
        h = h / jnp.sqrt(1.0 + BN_EPS) * gamma + beta
        if l < L - 1:
            h = jnp.maximum(h, 0.0)  # relu; dropout is identity in eval
        zs.append(h)
        z = h
    gs = [jax.ops.segment_sum(zz, batch, num_segments=G) for zz in zs]
    z_cat = jnp.concatenate(zs, axis=1)
    g_cat = jnp.concatenate(gs, axis=1)
    return (z_cat, g_cat)

if __name__ == "__main__":
    import jax
    _d = setup_inputs()
    print(jax.jit(kernel)(*tuple(_d.values())))

</pallas_src>

<mosaic_0001>
#map = affine_map<(d0, d1) -> (0, 0)>
#map1 = affine_map<(d0, d1) -> (0, 0, 0)>
module attributes {stable_mosaic.version = 14 : i64} {
  func.func @agg(%arg0: i32, %arg1: i32, %arg2: memref<10000x128xf32, #tpu.memory_space<hbm>>, %arg3: memref<32x97x128xi32, #tpu.memory_space<hbm>>, %arg4: memref<32x97x128xi32, #tpu.memory_space<hbm>>, %arg5: memref<2x10240x128xf32, #tpu.memory_space<hbm>>, %arg6: memref<97x128xi32, #tpu.memory_space<vmem>>, %arg7: memref<97x128xi32, #tpu.memory_space<vmem>>, %arg8: memref<128x128xf32, #tpu.memory_space<vmem>>, %arg9: memref<10240x128xf32, #tpu.memory_space<vmem_shared>>, %arg10: memref<!tpu.dma_semaphore, #tpu.memory_space<semaphore_mem>>) attributes {dimension_semantics = [#tpu.dimension_semantics<core_parallel>, #tpu.dimension_semantics<subcore_parallel>], iteration_bounds = array<i64: 2, 16>, scalar_prefetch = 0 : i64, scratch_operands = 5 : i64, tpu.core_type = #tpu.core_type<sc_vector_subcore>, window_params = [{transform_indices = #map}, {transform_indices = #map1}, {transform_indices = #map1}, {transform_indices = #map1}]} {
    %mul3A = arith.constant 16 : i32
    %mul3A_0 = arith.muli %arg0, %mul3A : i32
    %add3A = arith.addi %mul3A_0, %arg1 : i32
    %eq3A = arith.constant 0 : i32
    %eq3A_1 = arith.cmpi eq, %arg0, %eq3A : i32
    %select_n3A = arith.constant 60 : i32
    %select_n3A_2 = arith.constant 97 : i32
    %select_n3A_3 = arith.select %eq3A_1, %select_n3A_2, %select_n3A : i32
    %scan3A = arith.constant 0 : i32
    %scan3A_4 = arith.constant 0 : i32
    %scan3A_5 = arith.constant 128 : i32
    %scan3A_6 = arith.addi %scan3A_4, %scan3A_5 : i32
    %scan3A_7 = arith.constant 1 : i32
    scf.for %scan3A_31 = %scan3A_4 to %scan3A_6 step %scan3A_7  : i32 {
      %broadcast_in_dim3A = arith.constant 0.000000e+00 : f32
      %broadcast_in_dim3A_32 = vector.broadcast %broadcast_in_dim3A : f32 to vector<16xf32>
      %swap3A = arith.index_cast %scan3A_31 : i32 to index
      %swap3A_33 = arith.constant 0 : index
      %swap3A_34 = tpu.vector_load %arg8[%swap3A, %swap3A_33] {strides = array<i32>} : memref<128x128xf32, #tpu.memory_space<vmem>>, vector<1x16xf32>,
      %swap3A_35 = vector.shape_cast %swap3A_34 : vector<1x16xf32> to vector<16xf32>
      %swap3A_36 = vector.shape_cast %broadcast_in_dim3A_32 : vector<16xf32> to vector<1x16xf32>
      tpu.vector_store %arg8[%swap3A, %swap3A_33], %swap3A_36 {strides = array<i32>} : memref<128x128xf32, #tpu.memory_space<vmem>>, vector<1x16xf32>,
      %broadcast_in_dim3A_37 = arith.constant 0.000000e+00 : f32
      %broadcast_in_dim3A_38 = vector.broadcast %broadcast_in_dim3A_37 : f32 to vector<16xf32>
      %swap3A_39 = arith.index_cast %scan3A_31 : i32 to index
      %swap3A_40 = arith.constant 16 : index
      %swap3A_41 = tpu.vector_load %arg8[%swap3A_39, %swap3A_40] {strides = array<i32>} : memref<128x128xf32, #tpu.memory_space<vmem>>, vector<1x16xf32>,
      %swap3A_42 = vector.shape_cast %swap3A_41 : vector<1x16xf32> to vector<16xf32>
      %swap3A_43 = vector.shape_cast %broadcast_in_dim3A_38 : vector<16xf32> to vector<1x16xf32>
      tpu.vector_store %arg8[%swap3A_39, %swap3A_40], %swap3A_43 {strides = array<i32>} : memref<128x128xf32, #tpu.memory_space<vmem>>, vector<1x16xf32>,
      %broadcast_in_dim3A_44 = arith.constant 0.000000e+00 : f32
      %broadcast_in_dim3A_45 = vector.broadcast %broadcast_in_dim3A_44 : f32 to vector<16xf32>
      %swap3A_46 = arith.index_cast %scan3A_31 : i32 to index
      %swap3A_47 = arith.constant 32 : index
      %swap3A_48 = tpu.vector_load %arg8[%swap3A_46, %swap3A_47] {strides = array<i32>} : memref<128x128xf32, #tpu.memory_space<vmem>>, vector<1x16xf32>,
      %swap3A_49 = vector.shape_cast %swap3A_48 : vector<1x16xf32> to vector<16xf32>
      %swap3A_50 = vector.shape_cast %broadcast_in_dim3A_45 : vector<16xf32> to vector<1x16xf32>
      tpu.vector_store %arg8[%swap3A_46, %swap3A_47], %swap3A_50 {strides = array<i32>} : memref<128x128xf32, #tpu.memory_space<vmem>>, vector<1x16xf32>,
      %broadcast_in_dim3A_51 = arith.constant 0.000000e+00 : f32
      %broadcast_in_dim3A_52 = vector.broadcast %broadcast_in_dim3A_51 : f32 to vector<16xf32>
      %swap3A_53 = arith.index_cast %scan3A_31 : i32 to index
      %swap3A_54 = arith.constant 48 : index
      %swap3A_55 = tpu.vector_load %arg8[%swap3A_53, %swap3A_54] {strides = array<i32>} : memref<128x128xf32, #tpu.memory_space<vmem>>, vector<1x16xf32>,
      %swap3A_56 = vector.shape_cast %swap3A_55 : vector<1x16xf32> to vector<16xf32>
      %swap3A_57 = vector.shape_cast %broadcast_in_dim3A_52 : vector<16xf32> to vector<1x16xf32>
      tpu.vector_store %arg8[%swap3A_53, %swap3A_54], %swap3A_57 {strides = array<i32>} : memref<128x128xf32, #tpu.memory_space<vmem>>, vector<1x16xf32>,
      %broadcast_in_dim3A_58 = arith.constant 0.000000e+00 : f32
      %broadcast_in_dim3A_59 = vector.broadcast %broadcast_in_dim3A_58 : f32 to vector<16xf32>
      %swap3A_60 = arith.index_cast %scan3A_31 : i32 to index
      %swap3A_61 = arith.constant 64 : index
      %swap3A_62 = tpu.vector_load %arg8[%swap3A_60, %swap3A_61] {strides = array<i32>} : memref<128x128xf32, #tpu.memory_space<vmem>>, vector<1x16xf32>,
      %swap3A_63 = vector.shape_cast %swap3A_62 : vector<1x16xf32> to vector<16xf32>
      %swap3A_64 = vector.shape_cast %broadcast_in_dim3A_59 : vector<16xf32> to vector<1x16xf32>
      tpu.vector_store %arg8[%swap3A_60, %swap3A_61], %swap3A_64 {strides = array<i32>} : memref<128x128xf32, #tpu.memory_space<vmem>>, vector<1x16xf32>,
      %broadcast_in_dim3A_65 = arith.constant 0.000000e+00 : f32
      %broadcast_in_dim3A_66 = vector.broadcast %broadcast_in_dim3A_65 : f32 to vector<16xf32>
      %swap3A_67 = arith.index_cast %scan3A_31 : i32 to index
      %swap3A_68 = arith.constant 80 : index
      %swap3A_69 = tpu.vector_load %arg8[%swap3A_67, %swap3A_68] {strides = array<i32>} : memref<128x128xf32, #tpu.memory_space<vmem>>, vector<1x16xf32>,
      %swap3A_70 = vector.shape_cast %swap3A_69 : vector<1x16xf32> to vector<16xf32>
      %swap3A_71 = vector.shape_cast %broadcast_in_dim3A_66 : vector<16xf32> to vector<1x16xf32>
      tpu.vector_store %arg8[%swap3A_67, %swap3A_68], %swap3A_71 {strides = array<i32>} : memref<128x128xf32, #tpu.memory_space<vmem>>, vector<1x16xf32>,
      %broadcast_in_dim3A_72 = arith.constant 0.000000e+00 : f32
      %broadcast_in_dim3A_73 = vector.broadcast %broadcast_in_dim3A_72 : f32 to vector<16xf32>
      %swap3A_74 = arith.index_cast %scan3A_31 : i32 to index
      %swap3A_75 = arith.constant 96 : index
      %swap3A_76 = tpu.vector_load %arg8[%swap3A_74, %swap3A_75] {strides = array<i32>} : memref<128x128xf32, #tpu.memory_space<vmem>>, vector<1x16xf32>,
      %swap3A_77 = vector.shape_cast %swap3A_76 : vector<1x16xf32> to vector<16xf32>
      %swap3A_78 = vector.shape_cast %broadcast_in_dim3A_73 : vector<16xf32> to vector<1x16xf32>
      tpu.vector_store %arg8[%swap3A_74, %swap3A_75], %swap3A_78 {strides = array<i32>} : memref<128x128xf32, #tpu.memory_space<vmem>>, vector<1x16xf32>,
      %broadcast_in_dim3A_79 = arith.constant 0.000000e+00 : f32
      %broadcast_in_dim3A_80 = vector.broadcast %broadcast_in_dim3A_79 : f32 to vector<16xf32>
      %swap3A_81 = arith.index_cast %scan3A_31 : i32 to index
      %swap3A_82 = arith.constant 112 : index
      %swap3A_83 = tpu.vector_load %arg8[%swap3A_81, %swap3A_82] {strides = array<i32>} : memref<128x128xf32, #tpu.memory_space<vmem>>, vector<1x16xf32>,
      %swap3A_84 = vector.shape_cast %swap3A_83 : vector<1x16xf32> to vector<16xf32>
      %swap3A_85 = vector.shape_cast %broadcast_in_dim3A_80 : vector<16xf32> to vector<1x16xf32>
      tpu.vector_store %arg8[%swap3A_81, %swap3A_82], %swap3A_85 {strides = array<i32>} : memref<128x128xf32, #tpu.memory_space<vmem>>, vector<1x16xf32>,
    }
    %scan3A_8 = arith.constant 128 : i32
    %mul3A_9 = arith.constant 640 : i32
    %mul3A_10 = arith.muli %arg1, %mul3A_9 : i32
    %add3A_11 = arith.constant 0 : i32
    %add3A_12 = arith.addi %mul3A_10, %add3A_11 : i32
    "tpu.region"() ({
      %run_scoped3A = tpu.sem_alloc : memref<!tpu.dma_semaphore, #tpu.memory_space<semaphore_mem>>
      %dma_start3A = arith.constant 0 : i32
      %dma_start3A_31 = arith.constant 0 : i32
      %dma_start3A_32 = tpu.memref_slice %arg8[%dma_start3A, %dma_start3A_31] : memref<128x128xf32, #tpu.memory_space<vmem>> -> memref<128x128xf32, #tpu.memory_space<vmem>>
      %dma_start3A_33 = arith.constant 0 : i32
      %dma_start3A_34 = tpu.memref_slice %arg9[%add3A_12, %dma_start3A_33] : memref<10240x128xf32, #tpu.memory_space<vmem_shared>> -> memref<128x128xf32, #tpu.memory_space<vmem_shared>>
      %dma_start3A_35 = arith.constant 0 : i32
      %dma_start3A_36 = tpu.memref_slice %arg9[%add3A_12, %dma_start3A_35] : memref<10240x128xf32, #tpu.memory_space<vmem_shared>> -> memref<128x128xf32, #tpu.memory_space<vmem_shared>>
      %dma_start3A_37 = arith.constant 0 : i32
      %dma_start3A_38 = arith.constant 0 : i32
      %dma_start3A_39 = tpu.memref_slice %arg8[%dma_start3A_37, %dma_start3A_38] : memref<128x128xf32, #tpu.memory_space<vmem>> -> memref<128x128xf32, #tpu.memory_space<vmem>>
      tpu.enqueue_dma source(%dma_start3A_39 : memref<128x128xf32, #tpu.memory_space<vmem>>) target(%dma_start3A_36 : memref<128x128xf32, #tpu.memory_space<vmem_shared>>) target_semaphore(%run_scoped3A : memref<!tpu.dma_semaphore, #tpu.memory_space<semaphore_mem>>)
      %dma_wait3A = arith.constant 0 : i32
      %dma_wait3A_40 = arith.constant 0 : i32
      %dma_wait3A_41 = tpu.memref_slice %arg8[%dma_wait3A, %dma_wait3A_40] : memref<128x128xf32, #tpu.memory_space<vmem>> -> memref<128x128xf32, #tpu.memory_space<vmem>>
      %dma_wait3A_42 = arith.constant 0 : i32
      %dma_wait3A_43 = tpu.memref_slice %arg9[%add3A_12, %dma_wait3A_42] : memref<10240x128xf32, #tpu.memory_space<vmem_shared>> -> memref<128x128xf32, #tpu.memory_space<vmem_shared>>
      %dma_wait3A_44 = arith.constant 0 : i32
      %dma_wait3A_45 = tpu.memref_slice %arg9[%add3A_12, %dma_wait3A_44] : memref<10240x128xf32, #tpu.memory_space<vmem_shared>> -> memref<128x128xf32, #tpu.memory_space<vmem_shared>>
      %dma_wait3A_46 = arith.constant 0 : i32
      %dma_wait3A_47 = arith.constant 0 : i32
      %dma_wait3A_48 = tpu.memref_slice %arg8[%dma_wait3A_46, %dma_wait3A_47] : memref<128x128xf32, #tpu.memory_space<vmem>> -> memref<128x128xf32, #tpu.memory_space<vmem>>
      tpu.wait_dma2 semaphore(%run_scoped3A : memref<!tpu.dma_semaphore, #tpu.memory_space<semaphore_mem>>) src(%dma_wait3A_48 : memref<128x128xf32, #tpu.memory_space<vmem>>) dst(%dma_wait3A_45 : memref<128x128xf32, #tpu.memory_space<vmem_shared>>)
      tpu.yield
    }) : () -> ()
    %add3A_13 = arith.constant 128 : i32
    %add3A_14 = arith.addi %mul3A_10, %add3A_13 : i32
    "tpu.region"() ({
      %run_scoped3A = tpu.sem_alloc : memref<!tpu.dma_semaphore, #tpu.memory_space<semaphore_mem>>
      %dma_start3A = arith.constant 0 : i32
      %dma_start3A_31 = arith.constant 0 : i32
      %dma_start3A_32 = tpu.memref_slice %arg8[%dma_start3A, %dma_start3A_31] : memref<128x128xf32, #tpu.memory_space<vmem>> -> memref<128x128xf32, #tpu.memory_space<vmem>>
      %dma_start3A_33 = arith.constant 0 : i32
      %dma_start3A_34 = tpu.memref_slice %arg9[%add3A_14, %dma_start3A_33] : memref<10240x128xf32, #tpu.memory_space<vmem_shared>> -> memref<128x128xf32, #tpu.memory_space<vmem_shared>>
      %dma_start3A_35 = arith.constant 0 : i32
      %dma_start3A_36 = tpu.memref_slice %arg9[%add3A_14, %dma_start3A_35] : memref<10240x128xf32, #tpu.memory_space<vmem_shared>> -> memref<128x128xf32, #tpu.memory_space<vmem_shared>>
      %dma_start3A_37 = arith.constant 0 : i32
      %dma_start3A_38 = arith.constant 0 : i32
      %dma_start3A_39 = tpu.memref_slice %arg8[%dma_start3A_37, %dma_start3A_38] : memref<128x128xf32, #tpu.memory_space<vmem>> -> memref<128x128xf32, #tpu.memory_space<vmem>>
      tpu.enqueue_dma source(%dma_start3A_39 : memref<128x128xf32, #tpu.memory_space<vmem>>) target(%dma_start3A_36 : memref<128x128xf32, #tpu.memory_space<vmem_shared>>) target_semaphore(%run_scoped3A : memref<!tpu.dma_semaphore, #tpu.memory_space<semaphore_mem>>)
      %dma_wait3A = arith.constant 0 : i32
      %dma_wait3A_40 = arith.constant 0 : i32
      %dma_wait3A_41 = tpu.memref_slice %arg8[%dma_wait3A, %dma_wait3A_40] : memref<128x128xf32, #tpu.memory_space<vmem>> -> memref<128x128xf32, #tpu.memory_space<vmem>>
      %dma_wait3A_42 = arith.constant 0 : i32
      %dma_wait3A_43 = tpu.memref_slice %arg9[%add3A_14, %dma_wait3A_42] : memref<10240x128xf32, #tpu.memory_space<vmem_shared>> -> memref<128x128xf32, #tpu.memory_space<vmem_shared>>
      %dma_wait3A_44 = arith.constant 0 : i32
      %dma_wait3A_45 = tpu.memref_slice %arg9[%add3A_14, %dma_wait3A_44] : memref<10240x128xf32, #tpu.memory_space<vmem_shared>> -> memref<128x128xf32, #tpu.memory_space<vmem_shared>>
      %dma_wait3A_46 = arith.constant 0 : i32
      %dma_wait3A_47 = arith.constant 0 : i32
      %dma_wait3A_48 = tpu.memref_slice %arg8[%dma_wait3A_46, %dma_wait3A_47] : memref<128x128xf32, #tpu.memory_space<vmem>> -> memref<128x128xf32, #tpu.memory_space<vmem>>
      tpu.wait_dma2 semaphore(%run_scoped3A : memref<!tpu.dma_semaphore, #tpu.memory_space<semaphore_mem>>) src(%dma_wait3A_48 : memref<128x128xf32, #tpu.memory_space<vmem>>) dst(%dma_wait3A_45 : memref<128x128xf32, #tpu.memory_space<vmem_shared>>)
      tpu.yield
    }) : () -> ()
    %add3A_15 = arith.constant 256 : i32
    %add3A_16 = arith.addi %mul3A_10, %add3A_15 : i32
    "tpu.region"() ({
      %run_scoped3A = tpu.sem_alloc : memref<!tpu.dma_semaphore, #tpu.memory_space<semaphore_mem>>
      %dma_start3A = arith.constant 0 : i32
      %dma_start3A_31 = arith.constant 0 : i32
      %dma_start3A_32 = tpu.memref_slice %arg8[%dma_start3A, %dma_start3A_31] : memref<128x128xf32, #tpu.memory_space<vmem>> -> memref<128x128xf32, #tpu.memory_space<vmem>>
      %dma_start3A_33 = arith.constant 0 : i32
      %dma_start3A_34 = tpu.memref_slice %arg9[%add3A_16, %dma_start3A_33] : memref<10240x128xf32, #tpu.memory_space<vmem_shared>> -> memref<128x128xf32, #tpu.memory_space<vmem_shared>>
      %dma_start3A_35 = arith.constant 0 : i32
      %dma_start3A_36 = tpu.memref_slice %arg9[%add3A_16, %dma_start3A_35] : memref<10240x128xf32, #tpu.memory_space<vmem_shared>> -> memref<128x128xf32, #tpu.memory_space<vmem_shared>>
      %dma_start3A_37 = arith.constant 0 : i32
      %dma_start3A_38 = arith.constant 0 : i32
      %dma_start3A_39 = tpu.memref_slice %arg8[%dma_start3A_37, %dma_start3A_38] : memref<128x128xf32, #tpu.memory_space<vmem>> -> memref<128x128xf32, #tpu.memory_space<vmem>>
      tpu.enqueue_dma source(%dma_start3A_39 : memref<128x128xf32, #tpu.memory_space<vmem>>) target(%dma_start3A_36 : memref<128x128xf32, #tpu.memory_space<vmem_shared>>) target_semaphore(%run_scoped3A : memref<!tpu.dma_semaphore, #tpu.memory_space<semaphore_mem>>)
      %dma_wait3A = arith.constant 0 : i32
      %dma_wait3A_40 = arith.constant 0 : i32
      %dma_wait3A_41 = tpu.memref_slice %arg8[%dma_wait3A, %dma_wait3A_40] : memref<128x128xf32, #tpu.memory_space<vmem>> -> memref<128x128xf32, #tpu.memory_space<vmem>>
      %dma_wait3A_42 = arith.constant 0 : i32
      %dma_wait3A_43 = tpu.memref_slice %arg9[%add3A_16, %dma_wait3A_42] : memref<10240x128xf32, #tpu.memory_space<vmem_shared>> -> memref<128x128xf32, #tpu.memory_space<vmem_shared>>
      %dma_wait3A_44 = arith.constant 0 : i32
      %dma_wait3A_45 = tpu.memref_slice %arg9[%add3A_16, %dma_wait3A_44] : memref<10240x128xf32, #tpu.memory_space<vmem_shared>> -> memref<128x128xf32, #tpu.memory_space<vmem_shared>>
      %dma_wait3A_46 = arith.constant 0 : i32
      %dma_wait3A_47 = arith.constant 0 : i32
      %dma_wait3A_48 = tpu.memref_slice %arg8[%dma_wait3A_46, %dma_wait3A_47] : memref<128x128xf32, #tpu.memory_space<vmem>> -> memref<128x128xf32, #tpu.memory_space<vmem>>
      tpu.wait_dma2 semaphore(%run_scoped3A : memref<!tpu.dma_semaphore, #tpu.memory_space<semaphore_mem>>) src(%dma_wait3A_48 : memref<128x128xf32, #tpu.memory_space<vmem>>) dst(%dma_wait3A_45 : memref<128x128xf32, #tpu.memory_space<vmem_shared>>)
      tpu.yield
    }) : () -> ()
    %add3A_17 = arith.constant 384 : i32
    %add3A_18 = arith.addi %mul3A_10, %add3A_17 : i32
    "tpu.region"() ({
      %run_scoped3A = tpu.sem_alloc : memref<!tpu.dma_semaphore, #tpu.memory_space<semaphore_mem>>
      %dma_start3A = arith.constant 0 : i32
      %dma_start3A_31 = arith.constant 0 : i32
      %dma_start3A_32 = tpu.memref_slice %arg8[%dma_start3A, %dma_start3A_31] : memref<128x128xf32, #tpu.memory_space<vmem>> -> memref<128x128xf32, #tpu.memory_space<vmem>>
      %dma_start3A_33 = arith.constant 0 : i32
      %dma_start3A_34 = tpu.memref_slice %arg9[%add3A_18, %dma_start3A_33] : memref<10240x128xf32, #tpu.memory_space<vmem_shared>> -> memref<128x128xf32, #tpu.memory_space<vmem_shared>>
      %dma_start3A_35 = arith.constant 0 : i32
      %dma_start3A_36 = tpu.memref_slice %arg9[%add3A_18, %dma_start3A_35] : memref<10240x128xf32, #tpu.memory_space<vmem_shared>> -> memref<128x128xf32, #tpu.memory_space<vmem_shared>>
      %dma_start3A_37 = arith.constant 0 : i32
      %dma_start3A_38 = arith.constant 0 : i32
      %dma_start3A_39 = tpu.memref_slice %arg8[%dma_start3A_37, %dma_start3A_38] : memref<128x128xf32, #tpu.memory_space<vmem>> -> memref<128x128xf32, #tpu.memory_space<vmem>>
      tpu.enqueue_dma source(%dma_start3A_39 : memref<128x128xf32, #tpu.memory_space<vmem>>) target(%dma_start3A_36 : memref<128x128xf32, #tpu.memory_space<vmem_shared>>) target_semaphore(%run_scoped3A : memref<!tpu.dma_semaphore, #tpu.memory_space<semaphore_mem>>)
      %dma_wait3A = arith.constant 0 : i32
      %dma_wait3A_40 = arith.constant 0 : i32
      %dma_wait3A_41 = tpu.memref_slice %arg8[%dma_wait3A, %dma_wait3A_40] : memref<128x128xf32, #tpu.memory_space<vmem>> -> memref<128x128xf32, #tpu.memory_space<vmem>>
      %dma_wait3A_42 = arith.constant 0 : i32
      %dma_wait3A_43 = tpu.memref_slice %arg9[%add3A_18, %dma_wait3A_42] : memref<10240x128xf32, #tpu.memory_space<vmem_shared>> -> memref<128x128xf32, #tpu.memory_space<vmem_shared>>
      %dma_wait3A_44 = arith.constant 0 : i32
      %dma_wait3A_45 = tpu.memref_slice %arg9[%add3A_18, %dma_wait3A_44] : memref<10240x128xf32, #tpu.memory_space<vmem_shared>> -> memref<128x128xf32, #tpu.memory_space<vmem_shared>>
      %dma_wait3A_46 = arith.constant 0 : i32
      %dma_wait3A_47 = arith.constant 0 : i32
      %dma_wait3A_48 = tpu.memref_slice %arg8[%dma_wait3A_46, %dma_wait3A_47] : memref<128x128xf32, #tpu.memory_space<vmem>> -> memref<128x128xf32, #tpu.memory_space<vmem>>
      tpu.wait_dma2 semaphore(%run_scoped3A : memref<!tpu.dma_semaphore, #tpu.memory_space<semaphore_mem>>) src(%dma_wait3A_48 : memref<128x128xf32, #tpu.memory_space<vmem>>) dst(%dma_wait3A_45 : memref<128x128xf32, #tpu.memory_space<vmem_shared>>)
      tpu.yield
    }) : () -> ()
    %add3A_19 = arith.constant 512 : i32
    %add3A_20 = arith.addi %mul3A_10, %add3A_19 : i32
    "tpu.region"() ({
      %run_scoped3A = tpu.sem_alloc : memref<!tpu.dma_semaphore, #tpu.memory_space<semaphore_mem>>
      %dma_start3A = arith.constant 0 : i32
      %dma_start3A_31 = arith.constant 0 : i32
      %dma_start3A_32 = tpu.memref_slice %arg8[%dma_start3A, %dma_start3A_31] : memref<128x128xf32, #tpu.memory_space<vmem>> -> memref<128x128xf32, #tpu.memory_space<vmem>>
      %dma_start3A_33 = arith.constant 0 : i32
      %dma_start3A_34 = tpu.memref_slice %arg9[%add3A_20, %dma_start3A_33] : memref<10240x128xf32, #tpu.memory_space<vmem_shared>> -> memref<128x128xf32, #tpu.memory_space<vmem_shared>>
      %dma_start3A_35 = arith.constant 0 : i32
      %dma_start3A_36 = tpu.memref_slice %arg9[%add3A_20, %dma_start3A_35] : memref<10240x128xf32, #tpu.memory_space<vmem_shared>> -> memref<128x128xf32, #tpu.memory_space<vmem_shared>>
      %dma_start3A_37 = arith.constant 0 : i32
      %dma_start3A_38 = arith.constant 0 : i32
      %dma_start3A_39 = tpu.memref_slice %arg8[%dma_start3A_37, %dma_start3A_38] : memref<128x128xf32, #tpu.memory_space<vmem>> -> memref<128x128xf32, #tpu.memory_space<vmem>>
      tpu.enqueue_dma source(%dma_start3A_39 : memref<128x128xf32, #tpu.memory_space<vmem>>) target(%dma_start3A_36 : memref<128x128xf32, #tpu.memory_space<vmem_shared>>) target_semaphore(%run_scoped3A : memref<!tpu.dma_semaphore, #tpu.memory_space<semaphore_mem>>)
      %dma_wait3A = arith.constant 0 : i32
      %dma_wait3A_40 = arith.constant 0 : i32
      %dma_wait3A_41 = tpu.memref_slice %arg8[%dma_wait3A, %dma_wait3A_40] : memref<128x128xf32, #tpu.memory_space<vmem>> -> memref<128x128xf32, #tpu.memory_space<vmem>>
      %dma_wait3A_42 = arith.constant 0 : i32
      %dma_wait3A_43 = tpu.memref_slice %arg9[%add3A_20, %dma_wait3A_42] : memref<10240x128xf32, #tpu.memory_space<vmem_shared>> -> memref<128x128xf32, #tpu.memory_space<vmem_shared>>
      %dma_wait3A_44 = arith.constant 0 : i32
      %dma_wait3A_45 = tpu.memref_slice %arg9[%add3A_20, %dma_wait3A_44] : memref<10240x128xf32, #tpu.memory_space<vmem_shared>> -> memref<128x128xf32, #tpu.memory_space<vmem_shared>>
      %dma_wait3A_46 = arith.constant 0 : i32
      %dma_wait3A_47 = arith.constant 0 : i32
      %dma_wait3A_48 = tpu.memref_slice %arg8[%dma_wait3A_46, %dma_wait3A_47] : memref<128x128xf32, #tpu.memory_space<vmem>> -> memref<128x128xf32, #tpu.memory_space<vmem>>
      tpu.wait_dma2 semaphore(%run_scoped3A : memref<!tpu.dma_semaphore, #tpu.memory_space<semaphore_mem>>) src(%dma_wait3A_48 : memref<128x128xf32, #tpu.memory_space<vmem>>) dst(%dma_wait3A_45 : memref<128x128xf32, #tpu.memory_space<vmem_shared>>)
      tpu.yield
    }) : () -> ()
    %barrier3A = arith.constant 0 : index
    tpu.barrier barrier_id(%barrier3A)
    "tpu.region"() ({
      %run_scoped3A = tpu.sem_alloc : memref<!tpu.dma_semaphore, #tpu.memory_space<semaphore_mem>>
      %dma_start3A = arith.constant 0 : i32
      %dma_start3A_31 = arith.constant 0 : i32
      %dma_start3A_32 = tpu.memref_slice %arg3[%add3A, %dma_start3A, %dma_start3A_31] : memref<32x97x128xi32, #tpu.memory_space<hbm>> -> memref<1x97x128xi32, #tpu.memory_space<hbm>>
      %dma_start3A_33 = tpu.memref_squeeze %dma_start3A_32 : memref<1x97x128xi32, #tpu.memory_space<hbm>> -> memref<97x128xi32, #tpu.memory_space<hbm>>
      %dma_start3A_34 = arith.constant 0 : i32
      %dma_start3A_35 = arith.constant 0 : i32
      %dma_start3A_36 = tpu.memref_slice %arg3[%add3A, %dma_start3A_34, %dma_start3A_35] : memref<32x97x128xi32, #tpu.memory_space<hbm>> -> memref<1x97x128xi32, #tpu.memory_space<hbm>>
      %dma_start3A_37 = tpu.memref_squeeze %dma_start3A_36 : memref<1x97x128xi32, #tpu.memory_space<hbm>> -> memref<97x128xi32, #tpu.memory_space<hbm>>
      tpu.enqueue_dma source(%dma_start3A_37 : memref<97x128xi32, #tpu.memory_space<hbm>>) target(%arg6 : memref<97x128xi32, #tpu.memory_space<vmem>>) target_semaphore(%run_scoped3A : memref<!tpu.dma_semaphore, #tpu.memory_space<semaphore_mem>>)
      %dma_wait3A = arith.constant 0 : i32
      %dma_wait3A_38 = arith.constant 0 : i32
      %dma_wait3A_39 = tpu.memref_slice %arg3[%add3A, %dma_wait3A, %dma_wait3A_38] : memref<32x97x128xi32, #tpu.memory_space<hbm>> -> memref<1x97x128xi32, #tpu.memory_space<hbm>>
      %dma_wait3A_40 = tpu.memref_squeeze %dma_wait3A_39 : memref<1x97x128xi32, #tpu.memory_space<hbm>> -> memref<97x128xi32, #tpu.memory_space<hbm>>
      %dma_wait3A_41 = arith.constant 0 : i32
      %dma_wait3A_42 = arith.constant 0 : i32
      %dma_wait3A_43 = tpu.memref_slice %arg3[%add3A, %dma_wait3A_41, %dma_wait3A_42] : memref<32x97x128xi32, #tpu.memory_space<hbm>> -> memref<1x97x128xi32, #tpu.memory_space<hbm>>
      %dma_wait3A_44 = tpu.memref_squeeze %dma_wait3A_43 : memref<1x97x128xi32, #tpu.memory_space<hbm>> -> memref<97x128xi32, #tpu.memory_space<hbm>>
      tpu.wait_dma2 semaphore(%run_scoped3A : memref<!tpu.dma_semaphore, #tpu.memory_space<semaphore_mem>>) src(%dma_wait3A_44 : memref<97x128xi32, #tpu.memory_space<hbm>>) dst(%arg6 : memref<97x128xi32, #tpu.memory_space<vmem>>)
      tpu.yield
    }) : () -> ()
    "tpu.region"() ({
      %run_scoped3A = tpu.sem_alloc : memref<!tpu.dma_semaphore, #tpu.memory_space<semaphore_mem>>
      %dma_start3A = arith.constant 0 : i32
      %dma_start3A_31 = arith.constant 0 : i32
      %dma_start3A_32 = tpu.memref_slice %arg4[%add3A, %dma_start3A, %dma_start3A_31] : memref<32x97x128xi32, #tpu.memory_space<hbm>> -> memref<1x97x128xi32, #tpu.memory_space<hbm>>
      %dma_start3A_33 = tpu.memref_squeeze %dma_start3A_32 : memref<1x97x128xi32, #tpu.memory_space<hbm>> -> memref<97x128xi32, #tpu.memory_space<hbm>>
      %dma_start3A_34 = arith.constant 0 : i32
      %dma_start3A_35 = arith.constant 0 : i32
      %dma_start3A_36 = tpu.memref_slice %arg4[%add3A, %dma_start3A_34, %dma_start3A_35] : memref<32x97x128xi32, #tpu.memory_space<hbm>> -> memref<1x97x128xi32, #tpu.memory_space<hbm>>
      %dma_start3A_37 = tpu.memref_squeeze %dma_start3A_36 : memref<1x97x128xi32, #tpu.memory_space<hbm>> -> memref<97x128xi32, #tpu.memory_space<hbm>>
      tpu.enqueue_dma source(%dma_start3A_37 : memref<97x128xi32, #tpu.memory_space<hbm>>) target(%arg7 : memref<97x128xi32, #tpu.memory_space<vmem>>) target_semaphore(%run_scoped3A : memref<!tpu.dma_semaphore, #tpu.memory_space<semaphore_mem>>)
      %dma_wait3A = arith.constant 0 : i32
      %dma_wait3A_38 = arith.constant 0 : i32
      %dma_wait3A_39 = tpu.memref_slice %arg4[%add3A, %dma_wait3A, %dma_wait3A_38] : memref<32x97x128xi32, #tpu.memory_space<hbm>> -> memref<1x97x128xi32, #tpu.memory_space<hbm>>
      %dma_wait3A_40 = tpu.memref_squeeze %dma_wait3A_39 : memref<1x97x128xi32, #tpu.memory_space<hbm>> -> memref<97x128xi32, #tpu.memory_space<hbm>>
      %dma_wait3A_41 = arith.constant 0 : i32
      %dma_wait3A_42 = arith.constant 0 : i32
      %dma_wait3A_43 = tpu.memref_slice %arg4[%add3A, %dma_wait3A_41, %dma_wait3A_42] : memref<32x97x128xi32, #tpu.memory_space<hbm>> -> memref<1x97x128xi32, #tpu.memory_space<hbm>>
      %dma_wait3A_44 = tpu.memref_squeeze %dma_wait3A_43 : memref<1x97x128xi32, #tpu.memory_space<hbm>> -> memref<97x128xi32, #tpu.memory_space<hbm>>
      tpu.wait_dma2 semaphore(%run_scoped3A : memref<!tpu.dma_semaphore, #tpu.memory_space<semaphore_mem>>) src(%dma_wait3A_44 : memref<97x128xi32, #tpu.memory_space<hbm>>) dst(%arg7 : memref<97x128xi32, #tpu.memory_space<vmem>>)
      tpu.yield
    }) : () -> ()
    %while3A = arith.constant 0 : i32
    %while3A_21 = arith.constant 0 : i32
    %while3A_22 = arith.subi %select_n3A_3, %while3A_21 : i32
    %while3A_23 = arith.addi %while3A_21, %while3A_22 : i32
    %while3A_24 = arith.constant 1 : i32
    %while3A_25 = arith.divsi %while3A_22, %while3A_24 : i32
    %while3A_26 = arith.muli %while3A_25, %while3A_24 : i32
    %while3A_27 = arith.addi %while3A_21, %while3A_26 : i32
    %while3A_28 = arith.constant 1 : i32
    scf.for %while3A_31 = %while3A_21 to %while3A_27 step %while3A_28  : i32 {
      %dma_start3A = arith.constant 0 : i32
      %dma_start3A_32 = tpu.memref_slice %arg6[%while3A_31, %dma_start3A] : memref<97x128xi32, #tpu.memory_space<vmem>> -> memref<1x128xi32, #tpu.memory_space<vmem>>
      %dma_start3A_33 = tpu.memref_squeeze %dma_start3A_32 : memref<1x128xi32, #tpu.memory_space<vmem>> -> memref<128xi32, #tpu.memory_space<vmem>>
      %dma_start3A_34 = arith.constant 0 : i32
      %dma_start3A_35 = arith.constant 0 : i32
      %dma_start3A_36 = tpu.memref_slice %arg2[%dma_start3A_34, %dma_start3A_35] : memref<10000x128xf32, #tpu.memory_space<hbm>> -> memref<10000x128xf32, #tpu.memory_space<hbm>>
      tpu.enqueue_indirect_dma source(%dma_start3A_36 : memref<10000x128xf32, #tpu.memory_space<hbm>>) target(%arg8 : memref<128x128xf32, #tpu.memory_space<vmem>>) offsets(%dma_start3A_33 : memref<128xi32, #tpu.memory_space<vmem>>) semaphore(%arg10 : memref<!tpu.dma_semaphore, #tpu.memory_space<semaphore_mem>>)
      %dma_wait3A = arith.constant 0 : i32
      %dma_wait3A_37 = tpu.memref_slice %arg6[%while3A_31, %dma_wait3A] : memref<97x128xi32, #tpu.memory_space<vmem>> -> memref<1x128xi32, #tpu.memory_space<vmem>>
      %dma_wait3A_38 = tpu.memref_squeeze %dma_wait3A_37 : memref<1x128xi32, #tpu.memory_space<vmem>> -> memref<128xi32, #tpu.memory_space<vmem>>
      %dma_wait3A_39 = arith.constant 0 : i32
      %dma_wait3A_40 = arith.constant 0 : i32
      %dma_wait3A_41 = tpu.memref_slice %arg2[%dma_wait3A_39, %dma_wait3A_40] : memref<10000x128xf32, #tpu.memory_space<hbm>> -> memref<10000x128xf32, #tpu.memory_space<hbm>>
      tpu.wait_indirect_dma semaphore(%arg10 : memref<!tpu.dma_semaphore, #tpu.memory_space<semaphore_mem>>) src(%dma_wait3A_41 : memref<10000x128xf32, #tpu.memory_space<hbm>>) dst(%arg8 : memref<128x128xf32, #tpu.memory_space<vmem>>)
      "tpu.region"() ({
        %run_scoped3A = tpu.sem_alloc : memref<!tpu.dma_semaphore, #tpu.memory_space<semaphore_mem>>
        %dma_start3A_42 = arith.constant 0 : i32
        %dma_start3A_43 = tpu.memref_slice %arg7[%while3A_31, %dma_start3A_42] : memref<97x128xi32, #tpu.memory_space<vmem>> -> memref<1x128xi32, #tpu.memory_space<vmem>>
        %dma_start3A_44 = tpu.memref_squeeze %dma_start3A_43 : memref<1x128xi32, #tpu.memory_space<vmem>> -> memref<128xi32, #tpu.memory_space<vmem>>
        %dma_start3A_45 = arith.constant 0 : i32
        %dma_start3A_46 = arith.constant 0 : i32
        %dma_start3A_47 = tpu.memref_slice %arg9[%dma_start3A_45, %dma_start3A_46] : memref<10240x128xf32, #tpu.memory_space<vmem_shared>> -> memref<10240x128xf32, #tpu.memory_space<vmem_shared>>
        tpu.enqueue_indirect_dma source(%arg8 : memref<128x128xf32, #tpu.memory_space<vmem>>) target(%dma_start3A_47 : memref<10240x128xf32, #tpu.memory_space<vmem_shared>>) offsets(%dma_start3A_44 : memref<128xi32, #tpu.memory_space<vmem>>) semaphore(%run_scoped3A : memref<!tpu.dma_semaphore, #tpu.memory_space<semaphore_mem>>) {add = true}
        %dma_wait3A_48 = arith.constant 0 : i32
        %dma_wait3A_49 = tpu.memref_slice %arg7[%while3A_31, %dma_wait3A_48] : memref<97x128xi32, #tpu.memory_space<vmem>> -> memref<1x128xi32, #tpu.memory_space<vmem>>
        %dma_wait3A_50 = tpu.memref_squeeze %dma_wait3A_49 : memref<1x128xi32, #tpu.memory_space<vmem>> -> memref<128xi32, #tpu.memory_space<vmem>>
        %dma_wait3A_51 = arith.constant 0 : i32
        %dma_wait3A_52 = arith.constant 0 : i32
        %dma_wait3A_53 = tpu.memref_slice %arg9[%dma_wait3A_51, %dma_wait3A_52] : memref<10240x128xf32, #tpu.memory_space<vmem_shared>> -> memref<10240x128xf32, #tpu.memory_space<vmem_shared>>
        tpu.wait_indirect_dma semaphore(%run_scoped3A : memref<!tpu.dma_semaphore, #tpu.memory_space<semaphore_mem>>) src(%arg8 : memref<128x128xf32, #tpu.memory_space<vmem>>) dst(%dma_wait3A_53 : memref<10240x128xf32, #tpu.memory_space<vmem_shared>>)
        tpu.yield
      }) : () -> ()
    }
    %while3A_29 = arith.constant 1 : i32
    scf.for %while3A_31 = %while3A_27 to %while3A_23 step %while3A_29  : i32 {
      %dma_start3A = arith.constant 0 : i32
      %dma_start3A_32 = tpu.memref_slice %arg6[%while3A_31, %dma_start3A] : memref<97x128xi32, #tpu.memory_space<vmem>> -> memref<1x128xi32, #tpu.memory_space<vmem>>
      %dma_start3A_33 = tpu.memref_squeeze %dma_start3A_32 : memref<1x128xi32, #tpu.memory_space<vmem>> -> memref<128xi32, #tpu.memory_space<vmem>>
      %dma_start3A_34 = arith.constant 0 : i32
      %dma_start3A_35 = arith.constant 0 : i32
      %dma_start3A_36 = tpu.memref_slice %arg2[%dma_start3A_34, %dma_start3A_35] : memref<10000x128xf32, #tpu.memory_space<hbm>> -> memref<10000x128xf32, #tpu.memory_space<hbm>>
      tpu.enqueue_indirect_dma source(%dma_start3A_36 : memref<10000x128xf32, #tpu.memory_space<hbm>>) target(%arg8 : memref<128x128xf32, #tpu.memory_space<vmem>>) offsets(%dma_start3A_33 : memref<128xi32, #tpu.memory_space<vmem>>) semaphore(%arg10 : memref<!tpu.dma_semaphore, #tpu.memory_space<semaphore_mem>>)
      %dma_wait3A = arith.constant 0 : i32
      %dma_wait3A_37 = tpu.memref_slice %arg6[%while3A_31, %dma_wait3A] : memref<97x128xi32, #tpu.memory_space<vmem>> -> memref<1x128xi32, #tpu.memory_space<vmem>>
      %dma_wait3A_38 = tpu.memref_squeeze %dma_wait3A_37 : memref<1x128xi32, #tpu.memory_space<vmem>> -> memref<128xi32, #tpu.memory_space<vmem>>
      %dma_wait3A_39 = arith.constant 0 : i32
      %dma_wait3A_40 = arith.constant 0 : i32
      %dma_wait3A_41 = tpu.memref_slice %arg2[%dma_wait3A_39, %dma_wait3A_40] : memref<10000x128xf32, #tpu.memory_space<hbm>> -> memref<10000x128xf32, #tpu.memory_space<hbm>>
      tpu.wait_indirect_dma semaphore(%arg10 : memref<!tpu.dma_semaphore, #tpu.memory_space<semaphore_mem>>) src(%dma_wait3A_41 : memref<10000x128xf32, #tpu.memory_space<hbm>>) dst(%arg8 : memref<128x128xf32, #tpu.memory_space<vmem>>)
      "tpu.region"() ({
        %run_scoped3A = tpu.sem_alloc : memref<!tpu.dma_semaphore, #tpu.memory_space<semaphore_mem>>
        %dma_start3A_42 = arith.constant 0 : i32
        %dma_start3A_43 = tpu.memref_slice %arg7[%while3A_31, %dma_start3A_42] : memref<97x128xi32, #tpu.memory_space<vmem>> -> memref<1x128xi32, #tpu.memory_space<vmem>>
        %dma_start3A_44 = tpu.memref_squeeze %dma_start3A_43 : memref<1x128xi32, #tpu.memory_space<vmem>> -> memref<128xi32, #tpu.memory_space<vmem>>
        %dma_start3A_45 = arith.constant 0 : i32
        %dma_start3A_46 = arith.constant 0 : i32
        %dma_start3A_47 = tpu.memref_slice %arg9[%dma_start3A_45, %dma_start3A_46] : memref<10240x128xf32, #tpu.memory_space<vmem_shared>> -> memref<10240x128xf32, #tpu.memory_space<vmem_shared>>
        tpu.enqueue_indirect_dma source(%arg8 : memref<128x128xf32, #tpu.memory_space<vmem>>) target(%dma_start3A_47 : memref<10240x128xf32, #tpu.memory_space<vmem_shared>>) offsets(%dma_start3A_44 : memref<128xi32, #tpu.memory_space<vmem>>) semaphore(%run_scoped3A : memref<!tpu.dma_semaphore, #tpu.memory_space<semaphore_mem>>) {add = true}
        %dma_wait3A_48 = arith.constant 0 : i32
        %dma_wait3A_49 = tpu.memref_slice %arg7[%while3A_31, %dma_wait3A_48] : memref<97x128xi32, #tpu.memory_space<vmem>> -> memref<1x128xi32, #tpu.memory_space<vmem>>
        %dma_wait3A_50 = tpu.memref_squeeze %dma_wait3A_49 : memref<1x128xi32, #tpu.memory_space<vmem>> -> memref<128xi32, #tpu.memory_space<vmem>>
        %dma_wait3A_51 = arith.constant 0 : i32
        %dma_wait3A_52 = arith.constant 0 : i32
        %dma_wait3A_53 = tpu.memref_slice %arg9[%dma_wait3A_51, %dma_wait3A_52] : memref<10240x128xf32, #tpu.memory_space<vmem_shared>> -> memref<10240x128xf32, #tpu.memory_space<vmem_shared>>
        tpu.wait_indirect_dma semaphore(%run_scoped3A : memref<!tpu.dma_semaphore, #tpu.memory_space<semaphore_mem>>) src(%arg8 : memref<128x128xf32, #tpu.memory_space<vmem>>) dst(%dma_wait3A_53 : memref<10240x128xf32, #tpu.memory_space<vmem_shared>>)
        tpu.yield
      }) : () -> ()
    }
    %barrier3A_30 = arith.constant 0 : index
    tpu.barrier barrier_id(%barrier3A_30)
    "tpu.region"() ({
      %run_scoped3A = tpu.sem_alloc : memref<!tpu.dma_semaphore, #tpu.memory_space<semaphore_mem>>
      %dma_start3A = arith.constant 0 : i32
      %dma_start3A_31 = tpu.memref_slice %arg5[%arg0, %mul3A_10, %dma_start3A] : memref<2x10240x128xf32, #tpu.memory_space<hbm>> -> memref<1x640x128xf32, #tpu.memory_space<hbm>>
      %dma_start3A_32 = tpu.memref_squeeze %dma_start3A_31 : memref<1x640x128xf32, #tpu.memory_space<hbm>> -> memref<640x128xf32, #tpu.memory_space<hbm>>
      %dma_start3A_33 = arith.constant 0 : i32
      %dma_start3A_34 = tpu.memref_slice %arg9[%mul3A_10, %dma_start3A_33] : memref<10240x128xf32, #tpu.memory_space<vmem_shared>> -> memref<640x128xf32, #tpu.memory_space<vmem_shared>>
      tpu.enqueue_dma source(%dma_start3A_34 : memref<640x128xf32, #tpu.memory_space<vmem_shared>>) target(%dma_start3A_32 : memref<640x128xf32, #tpu.memory_space<hbm>>) target_semaphore(%run_scoped3A : memref<!tpu.dma_semaphore, #tpu.memory_space<semaphore_mem>>)
      %dma_wait3A = arith.constant 0 : i32
      %dma_wait3A_35 = tpu.memref_slice %arg5[%arg0, %mul3A_10, %dma_wait3A] : memref<2x10240x128xf32, #tpu.memory_space<hbm>> -> memref<1x640x128xf32, #tpu.memory_space<hbm>>
      %dma_wait3A_36 = tpu.memref_squeeze %dma_wait3A_35 : memref<1x640x128xf32, #tpu.memory_space<hbm>> -> memref<640x128xf32, #tpu.memory_space<hbm>>
      %dma_wait3A_37 = arith.constant 0 : i32
      %dma_wait3A_38 = tpu.memref_slice %arg9[%mul3A_10, %dma_wait3A_37] : memref<10240x128xf32, #tpu.memory_space<vmem_shared>> -> memref<640x128xf32, #tpu.memory_space<vmem_shared>>
      tpu.wait_dma2 semaphore(%run_scoped3A : memref<!tpu.dma_semaphore, #tpu.memory_space<semaphore_mem>>) src(%dma_wait3A_38 : memref<640x128xf32, #tpu.memory_space<vmem_shared>>) dst(%dma_wait3A_36 : memref<640x128xf32, #tpu.memory_space<hbm>>)
      tpu.yield
    }) : () -> ()
    return
  }
}

#map = affine_map<(d0, d1) -> (0, 0)>
#map1 = affine_map<(d0, d1) -> (0, 0, 0)>
module attributes {stable_mosaic.version = 14 : i64} {
  func.func @agg(%arg0: i32, %arg1: i32, %arg2: memref<10000x128xf32, #tpu.memory_space<hbm>>, %arg3: memref<32x97x128xi32, #tpu.memory_space<hbm>>, %arg4: memref<32x97x128xi32, #tpu.memory_space<hbm>>, %arg5: memref<2x10240x128xf32, #tpu.memory_space<hbm>>, %arg6: memref<97x128xi32, #tpu.memory_space<vmem>>, %arg7: memref<97x128xi32, #tpu.memory_space<vmem>>, %arg8: memref<128x128xf32, #tpu.memory_space<vmem>>, %arg9: memref<10240x128xf32, #tpu.memory_space<vmem_shared>>, %arg10: memref<!tpu.dma_semaphore, #tpu.memory_space<semaphore_mem>>) attributes {dimension_semantics = [#tpu.dimension_semantics<core_parallel>, #tpu.dimension_semantics<subcore_parallel>], iteration_bounds = array<i64: 2, 16>, scalar_prefetch = 0 : i64, scratch_operands = 5 : i64, tpu.core_type = #tpu.core_type<sc_vector_subcore>, window_params = [{transform_indices = #map}, {transform_indices = #map1}, {transform_indices = #map1}, {transform_indices = #map1}]} {
    %mul3A = arith.constant 16 : i32
    %mul3A_0 = arith.muli %arg0, %mul3A : i32
    %add3A = arith.addi %mul3A_0, %arg1 : i32
    %eq3A = arith.constant 0 : i32
    %eq3A_1 = arith.cmpi eq, %arg0, %eq3A : i32
    %select_n3A = arith.constant 60 : i32
    %select_n3A_2 = arith.constant 97 : i32
    %select_n3A_3 = arith.select %eq3A_1, %select_n3A_2, %select_n3A : i32
    %scan3A = arith.constant 0 : i32
    %scan3A_4 = arith.constant 0 : i32
    %scan3A_5 = arith.constant 128 : i32
    %scan3A_6 = arith.addi %scan3A_4, %scan3A_5 : i32
    %scan3A_7 = arith.constant 1 : i32
    scf.for %scan3A_31 = %scan3A_4 to %scan3A_6 step %scan3A_7  : i32 {
      %broadcast_in_dim3A = arith.constant 0.000000e+00 : f32
      %broadcast_in_dim3A_32 = vector.broadcast %broadcast_in_dim3A : f32 to vector<16xf32>
      %swap3A = arith.index_cast %scan3A_31 : i32 to index
      %swap3A_33 = arith.constant 0 : index
      %swap3A_34 = tpu.vector_load %arg8[%swap3A, %swap3A_33] {strides = array<i32>} : memref<128x128xf32, #tpu.memory_space<vmem>>, vector<1x16xf32>,
      %swap3A_35 = vector.shape_cast %swap3A_34 : vector<1x16xf32> to vector<16xf32>
      %swap3A_36 = vector.shape_cast %broadcast_in_dim3A_32 : vector<16xf32> to vector<1x16xf32>
      tpu.vector_store %arg8[%swap3A, %swap3A_33], %swap3A_36 {strides = array<i32>} : memref<128x128xf32, #tpu.memory_space<vmem>>, vector<1x16xf32>,
      %broadcast_in_dim3A_37 = arith.constant 0.000000e+00 : f32
      %broadcast_in_dim3A_38 = vector.broadcast %broadcast_in_dim3A_37 : f32 to vector<16xf32>
      %swap3A_39 = arith.index_cast %scan3A_31 : i32 to index
      %swap3A_40 = arith.constant 16 : index
      %swap3A_41 = tpu.vector_load %arg8[%swap3A_39, %swap3A_40] {strides = array<i32>} : memref<128x128xf32, #tpu.memory_space<vmem>>, vector<1x16xf32>,
      %swap3A_42 = vector.shape_cast %swap3A_41 : vector<1x16xf32> to vector<16xf32>
      %swap3A_43 = vector.shape_cast %broadcast_in_dim3A_38 : vector<16xf32> to vector<1x16xf32>
      tpu.vector_store %arg8[%swap3A_39, %swap3A_40], %swap3A_43 {strides = array<i32>} : memref<128x128xf32, #tpu.memory_space<vmem>>, vector<1x16xf32>,
      %broadcast_in_dim3A_44 = arith.constant 0.000000e+00 : f32
      %broadcast_in_dim3A_45 = vector.broadcast %broadcast_in_dim3A_44 : f32 to vector<16xf32>
      %swap3A_46 = arith.index_cast %scan3A_31 : i32 to index
      %swap3A_47 = arith.constant 32 : index
      %swap3A_48 = tpu.vector_load %arg8[%swap3A_46, %swap3A_47] {strides = array<i32>} : memref<128x128xf32, #tpu.memory_space<vmem>>, vector<1x16xf32>,
      %swap3A_49 = vector.shape_cast %swap3A_48 : vector<1x16xf32> to vector<16xf32>
      %swap3A_50 = vector.shape_cast %broadcast_in_dim3A_45 : vector<16xf32> to vector<1x16xf32>
      tpu.vector_store %arg8[%swap3A_46, %swap3A_47], %swap3A_50 {strides = array<i32>} : memref<128x128xf32, #tpu.memory_space<vmem>>, vector<1x16xf32>,
      %broadcast_in_dim3A_51 = arith.constant 0.000000e+00 : f32
      %broadcast_in_dim3A_52 = vector.broadcast %broadcast_in_dim3A_51 : f32 to vector<16xf32>
      %swap3A_53 = arith.index_cast %scan3A_31 : i32 to index
      %swap3A_54 = arith.constant 48 : index
      %swap3A_55 = tpu.vector_load %arg8[%swap3A_53, %swap3A_54] {strides = array<i32>} : memref<128x128xf32, #tpu.memory_space<vmem>>, vector<1x16xf32>,
      %swap3A_56 = vector.shape_cast %swap3A_55 : vector<1x16xf32> to vector<16xf32>
      %swap3A_57 = vector.shape_cast %broadcast_in_dim3A_52 : vector<16xf32> to vector<1x16xf32>
      tpu.vector_store %arg8[%swap3A_53, %swap3A_54], %swap3A_57 {strides = array<i32>} : memref<128x128xf32, #tpu.memory_space<vmem>>, vector<1x16xf32>,
      %broadcast_in_dim3A_58 = arith.constant 0.000000e+00 : f32
      %broadcast_in_dim3A_59 = vector.broadcast %broadcast_in_dim3A_58 : f32 to vector<16xf32>
      %swap3A_60 = arith.index_cast %scan3A_31 : i32 to index
      %swap3A_61 = arith.constant 64 : index
      %swap3A_62 = tpu.vector_load %arg8[%swap3A_60, %swap3A_61] {strides = array<i32>} : memref<128x128xf32, #tpu.memory_space<vmem>>, vector<1x16xf32>,
      %swap3A_63 = vector.shape_cast %swap3A_62 : vector<1x16xf32> to vector<16xf32>
      %swap3A_64 = vector.shape_cast %broadcast_in_dim3A_59 : vector<16xf32> to vector<1x16xf32>
      tpu.vector_store %arg8[%swap3A_60, %swap3A_61], %swap3A_64 {strides = array<i32>} : memref<128x128xf32, #tpu.memory_space<vmem>>, vector<1x16xf32>,
      %broadcast_in_dim3A_65 = arith.constant 0.000000e+00 : f32
      %broadcast_in_dim3A_66 = vector.broadcast %broadcast_in_dim3A_65 : f32 to vector<16xf32>
      %swap3A_67 = arith.index_cast %scan3A_31 : i32 to index
      %swap3A_68 = arith.constant 80 : index
      %swap3A_69 = tpu.vector_load %arg8[%swap3A_67, %swap3A_68] {strides = array<i32>} : memref<128x128xf32, #tpu.memory_space<vmem>>, vector<1x16xf32>,
      %swap3A_70 = vector.shape_cast %swap3A_69 : vector<1x16xf32> to vector<16xf32>
      %swap3A_71 = vector.shape_cast %broadcast_in_dim3A_66 : vector<16xf32> to vector<1x16xf32>
      tpu.vector_store %arg8[%swap3A_67, %swap3A_68], %swap3A_71 {strides = array<i32>} : memref<128x128xf32, #tpu.memory_space<vmem>>, vector<1x16xf32>,
      %broadcast_in_dim3A_72 = arith.constant 0.000000e+00 : f32
      %broadcast_in_dim3A_73 = vector.broadcast %broadcast_in_dim3A_72 : f32 to vector<16xf32>
      %swap3A_74 = arith.index_cast %scan3A_31 : i32 to index
      %swap3A_75 = arith.constant 96 : index
      %swap3A_76 = tpu.vector_load %arg8[%swap3A_74, %swap3A_75] {strides = array<i32>} : memref<128x128xf32, #tpu.memory_space<vmem>>, vector<1x16xf32>,
      %swap3A_77 = vector.shape_cast %swap3A_76 : vector<1x16xf32> to vector<16xf32>
      %swap3A_78 = vector.shape_cast %broadcast_in_dim3A_73 : vector<16xf32> to vector<1x16xf32>
      tpu.vector_store %arg8[%swap3A_74, %swap3A_75], %swap3A_78 {strides = array<i32>} : memref<128x128xf32, #tpu.memory_space<vmem>>, vector<1x16xf32>,
      %broadcast_in_dim3A_79 = arith.constant 0.000000e+00 : f32
      %broadcast_in_dim3A_80 = vector.broadcast %broadcast_in_dim3A_79 : f32 to vector<16xf32>
      %swap3A_81 = arith.index_cast %scan3A_31 : i32 to index
      %swap3A_82 = arith.constant 112 : index
      %swap3A_83 = tpu.vector_load %arg8[%swap3A_81, %swap3A_82] {strides = array<i32>} : memref<128x128xf32, #tpu.memory_space<vmem>>, vector<1x16xf32>,
      %swap3A_84 = vector.shape_cast %swap3A_83 : vector<1x16xf32> to vector<16xf32>
      %swap3A_85 = vector.shape_cast %broadcast_in_dim3A_80 : vector<16xf32> to vector<1x16xf32>
      tpu.vector_store %arg8[%swap3A_81, %swap3A_82], %swap3A_85 {strides = array<i32>} : memref<128x128xf32, #tpu.memory_space<vmem>>, vector<1x16xf32>,
    }
    %scan3A_8 = arith.constant 128 : i32
    %mul3A_9 = arith.constant 640 : i32
    %mul3A_10 = arith.muli %arg1, %mul3A_9 : i32
    %add3A_11 = arith.constant 0 : i32
    %add3A_12 = arith.addi %mul3A_10, %add3A_11 : i32
    "tpu.region"() ({
      %run_scoped3A = tpu.sem_alloc : memref<!tpu.dma_semaphore, #tpu.memory_space<semaphore_mem>>
      %dma_start3A = arith.constant 0 : i32
      %dma_start3A_31 = arith.constant 0 : i32
      %dma_start3A_32 = tpu.memref_slice %arg8[%dma_start3A, %dma_start3A_31] : memref<128x128xf32, #tpu.memory_space<vmem>> -> memref<128x128xf32, #tpu.memory_space<vmem>>
      %dma_start3A_33 = arith.constant 0 : i32
      %dma_start3A_34 = tpu.memref_slice %arg9[%add3A_12, %dma_start3A_33] : memref<10240x128xf32, #tpu.memory_space<vmem_shared>> -> memref<128x128xf32, #tpu.memory_space<vmem_shared>>
      %dma_start3A_35 = arith.constant 0 : i32
      %dma_start3A_36 = tpu.memref_slice %arg9[%add3A_12, %dma_start3A_35] : memref<10240x128xf32, #tpu.memory_space<vmem_shared>> -> memref<128x128xf32, #tpu.memory_space<vmem_shared>>
      %dma_start3A_37 = arith.constant 0 : i32
      %dma_start3A_38 = arith.constant 0 : i32
      %dma_start3A_39 = tpu.memref_slice %arg8[%dma_start3A_37, %dma_start3A_38] : memref<128x128xf32, #tpu.memory_space<vmem>> -> memref<128x128xf32, #tpu.memory_space<vmem>>
      tpu.enqueue_dma source(%dma_start3A_39 : memref<128x128xf32, #tpu.memory_space<vmem>>) target(%dma_start3A_36 : memref<128x128xf32, #tpu.memory_space<vmem_shared>>) target_semaphore(%run_scoped3A : memref<!tpu.dma_semaphore, #tpu.memory_space<semaphore_mem>>)
      %dma_wait3A = arith.constant 0 : i32
      %dma_wait3A_40 = arith.constant 0 : i32
      %dma_wait3A_41 = tpu.memref_slice %arg8[%dma_wait3A, %dma_wait3A_40] : memref<128x128xf32, #tpu.memory_space<vmem>> -> memref<128x128xf32, #tpu.memory_space<vmem>>
      %dma_wait3A_42 = arith.constant 0 : i32
      %dma_wait3A_43 = tpu.memref_slice %arg9[%add3A_12, %dma_wait3A_42] : memref<10240x128xf32, #tpu.memory_space<vmem_shared>> -> memref<128x128xf32, #tpu.memory_space<vmem_shared>>
      %dma_wait3A_44 = arith.constant 0 : i32
      %dma_wait3A_45 = tpu.memref_slice %arg9[%add3A_12, %dma_wait3A_44] : memref<10240x128xf32, #tpu.memory_space<vmem_shared>> -> memref<128x128xf32, #tpu.memory_space<vmem_shared>>
      %dma_wait3A_46 = arith.constant 0 : i32
      %dma_wait3A_47 = arith.constant 0 : i32
      %dma_wait3A_48 = tpu.memref_slice %arg8[%dma_wait3A_46, %dma_wait3A_47] : memref<128x128xf32, #tpu.memory_space<vmem>> -> memref<128x128xf32, #tpu.memory_space<vmem>>
      tpu.wait_dma2 semaphore(%run_scoped3A : memref<!tpu.dma_semaphore, #tpu.memory_space<semaphore_mem>>) src(%dma_wait3A_48 : memref<128x128xf32, #tpu.memory_space<vmem>>) dst(%dma_wait3A_45 : memref<128x128xf32, #tpu.memory_space<vmem_shared>>)
      tpu.yield
    }) : () -> ()
    %add3A_13 = arith.constant 128 : i32
    %add3A_14 = arith.addi %mul3A_10, %add3A_13 : i32
    "tpu.region"() ({
      %run_scoped3A = tpu.sem_alloc : memref<!tpu.dma_semaphore, #tpu.memory_space<semaphore_mem>>
      %dma_start3A = arith.constant 0 : i32
      %dma_start3A_31 = arith.constant 0 : i32
      %dma_start3A_32 = tpu.memref_slice %arg8[%dma_start3A, %dma_start3A_31] : memref<128x128xf32, #tpu.memory_space<vmem>> -> memref<128x128xf32, #tpu.memory_space<vmem>>
      %dma_start3A_33 = arith.constant 0 : i32
      %dma_start3A_34 = tpu.memref_slice %arg9[%add3A_14, %dma_start3A_33] : memref<10240x128xf32, #tpu.memory_space<vmem_shared>> -> memref<128x128xf32, #tpu.memory_space<vmem_shared>>
      %dma_start3A_35 = arith.constant 0 : i32
      %dma_start3A_36 = tpu.memref_slice %arg9[%add3A_14, %dma_start3A_35] : memref<10240x128xf32, #tpu.memory_space<vmem_shared>> -> memref<128x128xf32, #tpu.memory_space<vmem_shared>>
      %dma_start3A_37 = arith.constant 0 : i32
      %dma_start3A_38 = arith.constant 0 : i32
      %dma_start3A_39 = tpu.memref_slice %arg8[%dma_start3A_37, %dma_start3A_38] : memref<128x128xf32, #tpu.memory_space<vmem>> -> memref<128x128xf32, #tpu.memory_space<vmem>>
      tpu.enqueue_dma source(%dma_start3A_39 : memref<128x128xf32, #tpu.memory_space<vmem>>) target(%dma_start3A_36 : memref<128x128xf32, #tpu.memory_space<vmem_shared>>) target_semaphore(%run_scoped3A : memref<!tpu.dma_semaphore, #tpu.memory_space<semaphore_mem>>)
      %dma_wait3A = arith.constant 0 : i32
      %dma_wait3A_40 = arith.constant 0 : i32
      %dma_wait3A_41 = tpu.memref_slice %arg8[%dma_wait3A, %dma_wait3A_40] : memref<128x128xf32, #tpu.memory_space<vmem>> -> memref<128x128xf32, #tpu.memory_space<vmem>>
      %dma_wait3A_42 = arith.constant 0 : i32
      %dma_wait3A_43 = tpu.memref_slice %arg9[%add3A_14, %dma_wait3A_42] : memref<10240x128xf32, #tpu.memory_space<vmem_shared>> -> memref<128x128xf32, #tpu.memory_space<vmem_shared>>
      %dma_wait3A_44 = arith.constant 0 : i32
      %dma_wait3A_45 = tpu.memref_slice %arg9[%add3A_14, %dma_wait3A_44] : memref<10240x128xf32, #tpu.memory_space<vmem_shared>> -> memref<128x128xf32, #tpu.memory_space<vmem_shared>>
      %dma_wait3A_46 = arith.constant 0 : i32
      %dma_wait3A_47 = arith.constant 0 : i32
      %dma_wait3A_48 = tpu.memref_slice %arg8[%dma_wait3A_46, %dma_wait3A_47] : memref<128x128xf32, #tpu.memory_space<vmem>> -> memref<128x128xf32, #tpu.memory_space<vmem>>
      tpu.wait_dma2 semaphore(%run_scoped3A : memref<!tpu.dma_semaphore, #tpu.memory_space<semaphore_mem>>) src(%dma_wait3A_48 : memref<128x128xf32, #tpu.memory_space<vmem>>) dst(%dma_wait3A_45 : memref<128x128xf32, #tpu.memory_space<vmem_shared>>)
      tpu.yield
    }) : () -> ()
    %add3A_15 = arith.constant 256 : i32
    %add3A_16 = arith.addi %mul3A_10, %add3A_15 : i32
    "tpu.region"() ({
      %run_scoped3A = tpu.sem_alloc : memref<!tpu.dma_semaphore, #tpu.memory_space<semaphore_mem>>
      %dma_start3A = arith.constant 0 : i32
      %dma_start3A_31 = arith.constant 0 : i32
      %dma_start3A_32 = tpu.memref_slice %arg8[%dma_start3A, %dma_start3A_31] : memref<128x128xf32, #tpu.memory_space<vmem>> -> memref<128x128xf32, #tpu.memory_space<vmem>>
      %dma_start3A_33 = arith.constant 0 : i32
      %dma_start3A_34 = tpu.memref_slice %arg9[%add3A_16, %dma_start3A_33] : memref<10240x128xf32, #tpu.memory_space<vmem_shared>> -> memref<128x128xf32, #tpu.memory_space<vmem_shared>>
      %dma_start3A_35 = arith.constant 0 : i32
      %dma_start3A_36 = tpu.memref_slice %arg9[%add3A_16, %dma_start3A_35] : memref<10240x128xf32, #tpu.memory_space<vmem_shared>> -> memref<128x128xf32, #tpu.memory_space<vmem_shared>>
      %dma_start3A_37 = arith.constant 0 : i32
      %dma_start3A_38 = arith.constant 0 : i32
      %dma_start3A_39 = tpu.memref_slice %arg8[%dma_start3A_37, %dma_start3A_38] : memref<128x128xf32, #tpu.memory_space<vmem>> -> memref<128x128xf32, #tpu.memory_space<vmem>>
      tpu.enqueue_dma source(%dma_start3A_39 : memref<128x128xf32, #tpu.memory_space<vmem>>) target(%dma_start3A_36 : memref<128x128xf32, #tpu.memory_space<vmem_shared>>) target_semaphore(%run_scoped3A : memref<!tpu.dma_semaphore, #tpu.memory_space<semaphore_mem>>)
      %dma_wait3A = arith.constant 0 : i32
      %dma_wait3A_40 = arith.constant 0 : i32
      %dma_wait3A_41 = tpu.memref_slice %arg8[%dma_wait3A, %dma_wait3A_40] : memref<128x128xf32, #tpu.memory_space<vmem>> -> memref<128x128xf32, #tpu.memory_space<vmem>>
      %dma_wait3A_42 = arith.constant 0 : i32
      %dma_wait3A_43 = tpu.memref_slice %arg9[%add3A_16, %dma_wait3A_42] : memref<10240x128xf32, #tpu.memory_space<vmem_shared>> -> memref<128x128xf32, #tpu.memory_space<vmem_shared>>
      %dma_wait3A_44 = arith.constant 0 : i32
      %dma_wait3A_45 = tpu.memref_slice %arg9[%add3A_16, %dma_wait3A_44] : memref<10240x128xf32, #tpu.memory_space<vmem_shared>> -> memref<128x128xf32, #tpu.memory_space<vmem_shared>>
      %dma_wait3A_46 = arith.constant 0 : i32
      %dma_wait3A_47 = arith.constant 0 : i32
      %dma_wait3A_48 = tpu.memref_slice %arg8[%dma_wait3A_46, %dma_wait3A_47] : memref<128x128xf32, #tpu.memory_space<vmem>> -> memref<128x128xf32, #tpu.memory_space<vmem>>
      tpu.wait_dma2 semaphore(%run_scoped3A : memref<!tpu.dma_semaphore, #tpu.memory_space<semaphore_mem>>) src(%dma_wait3A_48 : memref<128x128xf32, #tpu.memory_space<vmem>>) dst(%dma_wait3A_45 : memref<128x128xf32, #tpu.memory_space<vmem_shared>>)
      tpu.yield
    }) : () -> ()
    %add3A_17 = arith.constant 384 : i32
    %add3A_18 = arith.addi %mul3A_10, %add3A_17 : i32
    "tpu.region"() ({
      %run_scoped3A = tpu.sem_alloc : memref<!tpu.dma_semaphore, #tpu.memory_space<semaphore_mem>>
      %dma_start3A = arith.constant 0 : i32
      %dma_start3A_31 = arith.constant 0 : i32
      %dma_start3A_32 = tpu.memref_slice %arg8[%dma_start3A, %dma_start3A_31] : memref<128x128xf32, #tpu.memory_space<vmem>> -> memref<128x128xf32, #tpu.memory_space<vmem>>
      %dma_start3A_33 = arith.constant 0 : i32
      %dma_start3A_34 = tpu.memref_slice %arg9[%add3A_18, %dma_start3A_33] : memref<10240x128xf32, #tpu.memory_space<vmem_shared>> -> memref<128x128xf32, #tpu.memory_space<vmem_shared>>
      %dma_start3A_35 = arith.constant 0 : i32
      %dma_start3A_36 = tpu.memref_slice %arg9[%add3A_18, %dma_start3A_35] : memref<10240x128xf32, #tpu.memory_space<vmem_shared>> -> memref<128x128xf32, #tpu.memory_space<vmem_shared>>
      %dma_start3A_37 = arith.constant 0 : i32
      %dma_start3A_38 = arith.constant 0 : i32
      %dma_start3A_39 = tpu.memref_slice %arg8[%dma_start3A_37, %dma_start3A_38] : memref<128x128xf32, #tpu.memory_space<vmem>> -> memref<128x128xf32, #tpu.memory_space<vmem>>
      tpu.enqueue_dma source(%dma_start3A_39 : memref<128x128xf32, #tpu.memory_space<vmem>>) target(%dma_start3A_36 : memref<128x128xf32, #tpu.memory_space<vmem_shared>>) target_semaphore(%run_scoped3A : memref<!tpu.dma_semaphore, #tpu.memory_space<semaphore_mem>>)
      %dma_wait3A = arith.constant 0 : i32
      %dma_wait3A_40 = arith.constant 0 : i32
      %dma_wait3A_41 = tpu.memref_slice %arg8[%dma_wait3A, %dma_wait3A_40] : memref<128x128xf32, #tpu.memory_space<vmem>> -> memref<128x128xf32, #tpu.memory_space<vmem>>
      %dma_wait3A_42 = arith.constant 0 : i32
      %dma_wait3A_43 = tpu.memref_slice %arg9[%add3A_18, %dma_wait3A_42] : memref<10240x128xf32, #tpu.memory_space<vmem_shared>> -> memref<128x128xf32, #tpu.memory_space<vmem_shared>>
      %dma_wait3A_44 = arith.constant 0 : i32
      %dma_wait3A_45 = tpu.memref_slice %arg9[%add3A_18, %dma_wait3A_44] : memref<10240x128xf32, #tpu.memory_space<vmem_shared>> -> memref<128x128xf32, #tpu.memory_space<vmem_shared>>
      %dma_wait3A_46 = arith.constant 0 : i32
      %dma_wait3A_47 = arith.constant 0 : i32
      %dma_wait3A_48 = tpu.memref_slice %arg8[%dma_wait3A_46, %dma_wait3A_47] : memref<128x128xf32, #tpu.memory_space<vmem>> -> memref<128x128xf32, #tpu.memory_space<vmem>>
      tpu.wait_dma2 semaphore(%run_scoped3A : memref<!tpu.dma_semaphore, #tpu.memory_space<semaphore_mem>>) src(%dma_wait3A_48 : memref<128x128xf32, #tpu.memory_space<vmem>>) dst(%dma_wait3A_45 : memref<128x128xf32, #tpu.memory_space<vmem_shared>>)
      tpu.yield
    }) : () -> ()
    %add3A_19 = arith.constant 512 : i32
    %add3A_20 = arith.addi %mul3A_10, %add3A_19 : i32
    "tpu.region"() ({
      %run_scoped3A = tpu.sem_alloc : memref<!tpu.dma_semaphore, #tpu.memory_space<semaphore_mem>>
      %dma_start3A = arith.constant 0 : i32
      %dma_start3A_31 = arith.constant 0 : i32
      %dma_start3A_32 = tpu.memref_slice %arg8[%dma_start3A, %dma_start3A_31] : memref<128x128xf32, #tpu.memory_space<vmem>> -> memref<128x128xf32, #tpu.memory_space<vmem>>
      %dma_start3A_33 = arith.constant 0 : i32
      %dma_start3A_34 = tpu.memref_slice %arg9[%add3A_20, %dma_start3A_33] : memref<10240x128xf32, #tpu.memory_space<vmem_shared>> -> memref<128x128xf32, #tpu.memory_space<vmem_shared>>
      %dma_start3A_35 = arith.constant 0 : i32
      %dma_start3A_36 = tpu.memref_slice %arg9[%add3A_20, %dma_start3A_35] : memref<10240x128xf32, #tpu.memory_space<vmem_shared>> -> memref<128x128xf32, #tpu.memory_space<vmem_shared>>
      %dma_start3A_37 = arith.constant 0 : i32
      %dma_start3A_38 = arith.constant 0 : i32
      %dma_start3A_39 = tpu.memref_slice %arg8[%dma_start3A_37, %dma_start3A_38] : memref<128x128xf32, #tpu.memory_space<vmem>> -> memref<128x128xf32, #tpu.memory_space<vmem>>
      tpu.enqueue_dma source(%dma_start3A_39 : memref<128x128xf32, #tpu.memory_space<vmem>>) target(%dma_start3A_36 : memref<128x128xf32, #tpu.memory_space<vmem_shared>>) target_semaphore(%run_scoped3A : memref<!tpu.dma_semaphore, #tpu.memory_space<semaphore_mem>>)
      %dma_wait3A = arith.constant 0 : i32
      %dma_wait3A_40 = arith.constant 0 : i32
      %dma_wait3A_41 = tpu.memref_slice %arg8[%dma_wait3A, %dma_wait3A_40] : memref<128x128xf32, #tpu.memory_space<vmem>> -> memref<128x128xf32, #tpu.memory_space<vmem>>
      %dma_wait3A_42 = arith.constant 0 : i32
      %dma_wait3A_43 = tpu.memref_slice %arg9[%add3A_20, %dma_wait3A_42] : memref<10240x128xf32, #tpu.memory_space<vmem_shared>> -> memref<128x128xf32, #tpu.memory_space<vmem_shared>>
      %dma_wait3A_44 = arith.constant 0 : i32
      %dma_wait3A_45 = tpu.memref_slice %arg9[%add3A_20, %dma_wait3A_44] : memref<10240x128xf32, #tpu.memory_space<vmem_shared>> -> memref<128x128xf32, #tpu.memory_space<vmem_shared>>
      %dma_wait3A_46 = arith.constant 0 : i32
      %dma_wait3A_47 = arith.constant 0 : i32
      %dma_wait3A_48 = tpu.memref_slice %arg8[%dma_wait3A_46, %dma_wait3A_47] : memref<128x128xf32, #tpu.memory_space<vmem>> -> memref<128x128xf32, #tpu.memory_space<vmem>>
      tpu.wait_dma2 semaphore(%run_scoped3A : memref<!tpu.dma_semaphore, #tpu.memory_space<semaphore_mem>>) src(%dma_wait3A_48 : memref<128x128xf32, #tpu.memory_space<vmem>>) dst(%dma_wait3A_45 : memref<128x128xf32, #tpu.memory_space<vmem_shared>>)
      tpu.yield
    }) : () -> ()
    %barrier3A = arith.constant 0 : index
    tpu.barrier barrier_id(%barrier3A)
    "tpu.region"() ({
      %run_scoped3A = tpu.sem_alloc : memref<!tpu.dma_semaphore, #tpu.memory_space<semaphore_mem>>
      %dma_start3A = arith.constant 0 : i32
      %dma_start3A_31 = arith.constant 0 : i32
      %dma_start3A_32 = tpu.memref_slice %arg3[%add3A, %dma_start3A, %dma_start3A_31] : memref<32x97x128xi32, #tpu.memory_space<hbm>> -> memref<1x97x128xi32, #tpu.memory_space<hbm>>
      %dma_start3A_33 = tpu.memref_squeeze %dma_start3A_32 : memref<1x97x128xi32, #tpu.memory_space<hbm>> -> memref<97x128xi32, #tpu.memory_space<hbm>>
      %dma_start3A_34 = arith.constant 0 : i32
      %dma_start3A_35 = arith.constant 0 : i32
      %dma_start3A_36 = tpu.memref_slice %arg3[%add3A, %dma_start3A_34, %dma_start3A_35] : memref<32x97x128xi32, #tpu.memory_space<hbm>> -> memref<1x97x128xi32, #tpu.memory_space<hbm>>
      %dma_start3A_37 = tpu.memref_squeeze %dma_start3A_36 : memref<1x97x128xi32, #tpu.memory_space<hbm>> -> memref<97x128xi32, #tpu.memory_space<hbm>>
      tpu.enqueue_dma source(%dma_start3A_37 : memref<97x128xi32, #tpu.memory_space<hbm>>) target(%arg6 : memref<97x128xi32, #tpu.memory_space<vmem>>) target_semaphore(%run_scoped3A : memref<!tpu.dma_semaphore, #tpu.memory_space<semaphore_mem>>)
      %dma_wait3A = arith.constant 0 : i32
      %dma_wait3A_38 = arith.constant 0 : i32
      %dma_wait3A_39 = tpu.memref_slice %arg3[%add3A, %dma_wait3A, %dma_wait3A_38] : memref<32x97x128xi32, #tpu.memory_space<hbm>> -> memref<1x97x128xi32, #tpu.memory_space<hbm>>
      %dma_wait3A_40 = tpu.memref_squeeze %dma_wait3A_39 : memref<1x97x128xi32, #tpu.memory_space<hbm>> -> memref<97x128xi32, #tpu.memory_space<hbm>>
      %dma_wait3A_41 = arith.constant 0 : i32
      %dma_wait3A_42 = arith.constant 0 : i32
      %dma_wait3A_43 = tpu.memref_slice %arg3[%add3A, %dma_wait3A_41, %dma_wait3A_42] : memref<32x97x128xi32, #tpu.memory_space<hbm>> -> memref<1x97x128xi32, #tpu.memory_space<hbm>>
      %dma_wait3A_44 = tpu.memref_squeeze %dma_wait3A_43 : memref<1x97x128xi32, #tpu.memory_space<hbm>> -> memref<97x128xi32, #tpu.memory_space<hbm>>
      tpu.wait_dma2 semaphore(%run_scoped3A : memref<!tpu.dma_semaphore, #tpu.memory_space<semaphore_mem>>) src(%dma_wait3A_44 : memref<97x128xi32, #tpu.memory_space<hbm>>) dst(%arg6 : memref<97x128xi32, #tpu.memory_space<vmem>>)
      tpu.yield
    }) : () -> ()
    "tpu.region"() ({
      %run_scoped3A = tpu.sem_alloc : memref<!tpu.dma_semaphore, #tpu.memory_space<semaphore_mem>>
      %dma_start3A = arith.constant 0 : i32
      %dma_start3A_31 = arith.constant 0 : i32
      %dma_start3A_32 = tpu.memref_slice %arg4[%add3A, %dma_start3A, %dma_start3A_31] : memref<32x97x128xi32, #tpu.memory_space<hbm>> -> memref<1x97x128xi32, #tpu.memory_space<hbm>>
      %dma_start3A_33 = tpu.memref_squeeze %dma_start3A_32 : memref<1x97x128xi32, #tpu.memory_space<hbm>> -> memref<97x128xi32, #tpu.memory_space<hbm>>
      %dma_start3A_34 = arith.constant 0 : i32
      %dma_start3A_35 = arith.constant 0 : i32
      %dma_start3A_36 = tpu.memref_slice %arg4[%add3A, %dma_start3A_34, %dma_start3A_35] : memref<32x97x128xi32, #tpu.memory_space<hbm>> -> memref<1x97x128xi32, #tpu.memory_space<hbm>>
      %dma_start3A_37 = tpu.memref_squeeze %dma_start3A_36 : memref<1x97x128xi32, #tpu.memory_space<hbm>> -> memref<97x128xi32, #tpu.memory_space<hbm>>
      tpu.enqueue_dma source(%dma_start3A_37 : memref<97x128xi32, #tpu.memory_space<hbm>>) target(%arg7 : memref<97x128xi32, #tpu.memory_space<vmem>>) target_semaphore(%run_scoped3A : memref<!tpu.dma_semaphore, #tpu.memory_space<semaphore_mem>>)
      %dma_wait3A = arith.constant 0 : i32
      %dma_wait3A_38 = arith.constant 0 : i32
      %dma_wait3A_39 = tpu.memref_slice %arg4[%add3A, %dma_wait3A, %dma_wait3A_38] : memref<32x97x128xi32, #tpu.memory_space<hbm>> -> memref<1x97x128xi32, #tpu.memory_space<hbm>>
      %dma_wait3A_40 = tpu.memref_squeeze %dma_wait3A_39 : memref<1x97x128xi32, #tpu.memory_space<hbm>> -> memref<97x128xi32, #tpu.memory_space<hbm>>
      %dma_wait3A_41 = arith.constant 0 : i32
      %dma_wait3A_42 = arith.constant 0 : i32
      %dma_wait3A_43 = tpu.memref_slice %arg4[%add3A, %dma_wait3A_41, %dma_wait3A_42] : memref<32x97x128xi32, #tpu.memory_space<hbm>> -> memref<1x97x128xi32, #tpu.memory_space<hbm>>
      %dma_wait3A_44 = tpu.memref_squeeze %dma_wait3A_43 : memref<1x97x128xi32, #tpu.memory_space<hbm>> -> memref<97x128xi32, #tpu.memory_space<hbm>>
      tpu.wait_dma2 semaphore(%run_scoped3A : memref<!tpu.dma_semaphore, #tpu.memory_space<semaphore_mem>>) src(%dma_wait3A_44 : memref<97x128xi32, #tpu.memory_space<hbm>>) dst(%arg7 : memref<97x128xi32, #tpu.memory_space<vmem>>)
      tpu.yield
    }) : () -> ()
    %while3A = arith.constant 0 : i32
    %while3A_21 = arith.constant 0 : i32
    %while3A_22 = arith.subi %select_n3A_3, %while3A_21 : i32
    %while3A_23 = arith.addi %while3A_21, %while3A_22 : i32
    %while3A_24 = arith.constant 1 : i32
    %while3A_25 = arith.divsi %while3A_22, %while3A_24 : i32
    %while3A_26 = arith.muli %while3A_25, %while3A_24 : i32
    %while3A_27 = arith.addi %while3A_21, %while3A_26 : i32
    %while3A_28 = arith.constant 1 : i32
    scf.for %while3A_31 = %while3A_21 to %while3A_27 step %while3A_28  : i32 {
      %dma_start3A = arith.constant 0 : i32
      %dma_start3A_32 = tpu.memref_slice %arg6[%while3A_31, %dma_start3A] : memref<97x128xi32, #tpu.memory_space<vmem>> -> memref<1x128xi32, #tpu.memory_space<vmem>>
      %dma_start3A_33 = tpu.memref_squeeze %dma_start3A_32 : memref<1x128xi32, #tpu.memory_space<vmem>> -> memref<128xi32, #tpu.memory_space<vmem>>
      %dma_start3A_34 = arith.constant 0 : i32
      %dma_start3A_35 = arith.constant 0 : i32
      %dma_start3A_36 = tpu.memref_slice %arg2[%dma_start3A_34, %dma_start3A_35] : memref<10000x128xf32, #tpu.memory_space<hbm>> -> memref<10000x128xf32, #tpu.memory_space<hbm>>
      tpu.enqueue_indirect_dma source(%dma_start3A_36 : memref<10000x128xf32, #tpu.memory_space<hbm>>) target(%arg8 : memref<128x128xf32, #tpu.memory_space<vmem>>) offsets(%dma_start3A_33 : memref<128xi32, #tpu.memory_space<vmem>>) semaphore(%arg10 : memref<!tpu.dma_semaphore, #tpu.memory_space<semaphore_mem>>)
      %dma_wait3A = arith.constant 0 : i32
      %dma_wait3A_37 = tpu.memref_slice %arg6[%while3A_31, %dma_wait3A] : memref<97x128xi32, #tpu.memory_space<vmem>> -> memref<1x128xi32, #tpu.memory_space<vmem>>
      %dma_wait3A_38 = tpu.memref_squeeze %dma_wait3A_37 : memref<1x128xi32, #tpu.memory_space<vmem>> -> memref<128xi32, #tpu.memory_space<vmem>>
      %dma_wait3A_39 = arith.constant 0 : i32
      %dma_wait3A_40 = arith.constant 0 : i32
      %dma_wait3A_41 = tpu.memref_slice %arg2[%dma_wait3A_39, %dma_wait3A_40] : memref<10000x128xf32, #tpu.memory_space<hbm>> -> memref<10000x128xf32, #tpu.memory_space<hbm>>
      tpu.wait_indirect_dma semaphore(%arg10 : memref<!tpu.dma_semaphore, #tpu.memory_space<semaphore_mem>>) src(%dma_wait3A_41 : memref<10000x128xf32, #tpu.memory_space<hbm>>) dst(%arg8 : memref<128x128xf32, #tpu.memory_space<vmem>>)
      "tpu.region"() ({
        %run_scoped3A = tpu.sem_alloc : memref<!tpu.dma_semaphore, #tpu.memory_space<semaphore_mem>>
        %dma_start3A_42 = arith.constant 0 : i32
        %dma_start3A_43 = tpu.memref_slice %arg7[%while3A_31, %dma_start3A_42] : memref<97x128xi32, #tpu.memory_space<vmem>> -> memref<1x128xi32, #tpu.memory_space<vmem>>
        %dma_start3A_44 = tpu.memref_squeeze %dma_start3A_43 : memref<1x128xi32, #tpu.memory_space<vmem>> -> memref<128xi32, #tpu.memory_space<vmem>>
        %dma_start3A_45 = arith.constant 0 : i32
        %dma_start3A_46 = arith.constant 0 : i32
        %dma_start3A_47 = tpu.memref_slice %arg9[%dma_start3A_45, %dma_start3A_46] : memref<10240x128xf32, #tpu.memory_space<vmem_shared>> -> memref<10240x128xf32, #tpu.memory_space<vmem_shared>>
        tpu.enqueue_indirect_dma source(%arg8 : memref<128x128xf32, #tpu.memory_space<vmem>>) target(%dma_start3A_47 : memref<10240x128xf32, #tpu.memory_space<vmem_shared>>) offsets(%dma_start3A_44 : memref<128xi32, #tpu.memory_space<vmem>>) semaphore(%run_scoped3A : memref<!tpu.dma_semaphore, #tpu.memory_space<semaphore_mem>>) {add = true}
        %dma_wait3A_48 = arith.constant 0 : i32
        %dma_wait3A_49 = tpu.memref_slice %arg7[%while3A_31, %dma_wait3A_48] : memref<97x128xi32, #tpu.memory_space<vmem>> -> memref<1x128xi32, #tpu.memory_space<vmem>>
        %dma_wait3A_50 = tpu.memref_squeeze %dma_wait3A_49 : memref<1x128xi32, #tpu.memory_space<vmem>> -> memref<128xi32, #tpu.memory_space<vmem>>
        %dma_wait3A_51 = arith.constant 0 : i32
        %dma_wait3A_52 = arith.constant 0 : i32
        %dma_wait3A_53 = tpu.memref_slice %arg9[%dma_wait3A_51, %dma_wait3A_52] : memref<10240x128xf32, #tpu.memory_space<vmem_shared>> -> memref<10240x128xf32, #tpu.memory_space<vmem_shared>>
        tpu.wait_indirect_dma semaphore(%run_scoped3A : memref<!tpu.dma_semaphore, #tpu.memory_space<semaphore_mem>>) src(%arg8 : memref<128x128xf32, #tpu.memory_space<vmem>>) dst(%dma_wait3A_53 : memref<10240x128xf32, #tpu.memory_space<vmem_shared>>)
        tpu.yield
      }) : () -> ()
    }
    %while3A_29 = arith.constant 1 : i32
    scf.for %while3A_31 = %while3A_27 to %while3A_23 step %while3A_29  : i32 {
      %dma_start3A = arith.constant 0 : i32
      %dma_start3A_32 = tpu.memref_slice %arg6[%while3A_31, %dma_start3A] : memref<97x128xi32, #tpu.memory_space<vmem>> -> memref<1x128xi32, #tpu.memory_space<vmem>>
      %dma_start3A_33 = tpu.memref_squeeze %dma_start3A_32 : memref<1x128xi32, #tpu.memory_space<vmem>> -> memref<128xi32, #tpu.memory_space<vmem>>
      %dma_start3A_34 = arith.constant 0 : i32
      %dma_start3A_35 = arith.constant 0 : i32
      %dma_start3A_36 = tpu.memref_slice %arg2[%dma_start3A_34, %dma_start3A_35] : memref<10000x128xf32, #tpu.memory_space<hbm>> -> memref<10000x128xf32, #tpu.memory_space<hbm>>
      tpu.enqueue_indirect_dma source(%dma_start3A_36 : memref<10000x128xf32, #tpu.memory_space<hbm>>) target(%arg8 : memref<128x128xf32, #tpu.memory_space<vmem>>) offsets(%dma_start3A_33 : memref<128xi32, #tpu.memory_space<vmem>>) semaphore(%arg10 : memref<!tpu.dma_semaphore, #tpu.memory_space<semaphore_mem>>)
      %dma_wait3A = arith.constant 0 : i32
      %dma_wait3A_37 = tpu.memref_slice %arg6[%while3A_31, %dma_wait3A] : memref<97x128xi32, #tpu.memory_space<vmem>> -> memref<1x128xi32, #tpu.memory_space<vmem>>
      %dma_wait3A_38 = tpu.memref_squeeze %dma_wait3A_37 : memref<1x128xi32, #tpu.memory_space<vmem>> -> memref<128xi32, #tpu.memory_space<vmem>>
      %dma_wait3A_39 = arith.constant 0 : i32
      %dma_wait3A_40 = arith.constant 0 : i32
      %dma_wait3A_41 = tpu.memref_slice %arg2[%dma_wait3A_39, %dma_wait3A_40] : memref<10000x128xf32, #tpu.memory_space<hbm>> -> memref<10000x128xf32, #tpu.memory_space<hbm>>
      tpu.wait_indirect_dma semaphore(%arg10 : memref<!tpu.dma_semaphore, #tpu.memory_space<semaphore_mem>>) src(%dma_wait3A_41 : memref<10000x128xf32, #tpu.memory_space<hbm>>) dst(%arg8 : memref<128x128xf32, #tpu.memory_space<vmem>>)
      "tpu.region"() ({
        %run_scoped3A = tpu.sem_alloc : memref<!tpu.dma_semaphore, #tpu.memory_space<semaphore_mem>>
        %dma_start3A_42 = arith.constant 0 : i32
        %dma_start3A_43 = tpu.memref_slice %arg7[%while3A_31, %dma_start3A_42] : memref<97x128xi32, #tpu.memory_space<vmem>> -> memref<1x128xi32, #tpu.memory_space<vmem>>
        %dma_start3A_44 = tpu.memref_squeeze %dma_start3A_43 : memref<1x128xi32, #tpu.memory_space<vmem>> -> memref<128xi32, #tpu.memory_space<vmem>>
        %dma_start3A_45 = arith.constant 0 : i32
        %dma_start3A_46 = arith.constant 0 : i32
        %dma_start3A_47 = tpu.memref_slice %arg9[%dma_start3A_45, %dma_start3A_46] : memref<10240x128xf32, #tpu.memory_space<vmem_shared>> -> memref<10240x128xf32, #tpu.memory_space<vmem_shared>>
        tpu.enqueue_indirect_dma source(%arg8 : memref<128x128xf32, #tpu.memory_space<vmem>>) target(%dma_start3A_47 : memref<10240x128xf32, #tpu.memory_space<vmem_shared>>) offsets(%dma_start3A_44 : memref<128xi32, #tpu.memory_space<vmem>>) semaphore(%run_scoped3A : memref<!tpu.dma_semaphore, #tpu.memory_space<semaphore_mem>>) {add = true}
        %dma_wait3A_48 = arith.constant 0 : i32
        %dma_wait3A_49 = tpu.memref_slice %arg7[%while3A_31, %dma_wait3A_48] : memref<97x128xi32, #tpu.memory_space<vmem>> -> memref<1x128xi32, #tpu.memory_space<vmem>>
        %dma_wait3A_50 = tpu.memref_squeeze %dma_wait3A_49 : memref<1x128xi32, #tpu.memory_space<vmem>> -> memref<128xi32, #tpu.memory_space<vmem>>
        %dma_wait3A_51 = arith.constant 0 : i32
        %dma_wait3A_52 = arith.constant 0 : i32
        %dma_wait3A_53 = tpu.memref_slice %arg9[%dma_wait3A_51, %dma_wait3A_52] : memref<10240x128xf32, #tpu.memory_space<vmem_shared>> -> memref<10240x128xf32, #tpu.memory_space<vmem_shared>>
        tpu.wait_indirect_dma semaphore(%run_scoped3A : memref<!tpu.dma_semaphore, #tpu.memory_space<semaphore_mem>>) src(%arg8 : memref<128x128xf32, #tpu.memory_space<vmem>>) dst(%dma_wait3A_53 : memref<10240x128xf32, #tpu.memory_space<vmem_shared>>)
        tpu.yield
      }) : () -> ()
    }
    %barrier3A_30 = arith.constant 0 : index
    tpu.barrier barrier_id(%barrier3A_30)
    "tpu.region"() ({
      %run_scoped3A = tpu.sem_alloc : memref<!tpu.dma_semaphore, #tpu.memory_space<semaphore_mem>>
      %dma_start3A = arith.constant 0 : i32
      %dma_start3A_31 = tpu.memref_slice %arg5[%arg0, %mul3A_10, %dma_start3A] : memref<2x10240x128xf32, #tpu.memory_space<hbm>> -> memref<1x640x128xf32, #tpu.memory_space<hbm>>
      %dma_start3A_32 = tpu.memref_squeeze %dma_start3A_31 : memref<1x640x128xf32, #tpu.memory_space<hbm>> -> memref<640x128xf32, #tpu.memory_space<hbm>>
      %dma_start3A_33 = arith.constant 0 : i32
      %dma_start3A_34 = tpu.memref_slice %arg9[%mul3A_10, %dma_start3A_33] : memref<10240x128xf32, #tpu.memory_space<vmem_shared>> -> memref<640x128xf32, #tpu.memory_space<vmem_shared>>
      tpu.enqueue_dma source(%dma_start3A_34 : memref<640x128xf32, #tpu.memory_space<vmem_shared>>) target(%dma_start3A_32 : memref<640x128xf32, #tpu.memory_space<hbm>>) target_semaphore(%run_scoped3A : memref<!tpu.dma_semaphore, #tpu.memory_space<semaphore_mem>>)
      %dma_wait3A = arith.constant 0 : i32
      %dma_wait3A_35 = tpu.memref_slice %arg5[%arg0, %mul3A_10, %dma_wait3A] : memref<2x10240x128xf32, #tpu.memory_space<hbm>> -> memref<1x640x128xf32, #tpu.memory_space<hbm>>
      %dma_wait3A_36 = tpu.memref_squeeze %dma_wait3A_35 : memref<1x640x128xf32, #tpu.memory_space<hbm>> -> memref<640x128xf32, #tpu.memory_space<hbm>>
      %dma_wait3A_37 = arith.constant 0 : i32
      %dma_wait3A_38 = tpu.memref_slice %arg9[%mul3A_10, %dma_wait3A_37] : memref<10240x128xf32, #tpu.memory_space<vmem_shared>> -> memref<640x128xf32, #tpu.memory_space<vmem_shared>>
      tpu.wait_dma2 semaphore(%run_scoped3A : memref<!tpu.dma_semaphore, #tpu.memory_space<semaphore_mem>>) src(%dma_wait3A_38 : memref<640x128xf32, #tpu.memory_space<vmem_shared>>) dst(%dma_wait3A_36 : memref<640x128xf32, #tpu.memory_space<hbm>>)
      tpu.yield
    }) : () -> ()
    return
  }
}

#map = affine_map<(d0, d1) -> (0, 0)>
#map1 = affine_map<(d0, d1) -> (0, 0, 0)>
module attributes {stable_mosaic.version = 14 : i64} {
  func.func @agg(%arg0: i32, %arg1: i32, %arg2: memref<10000x128xf32, #tpu.memory_space<hbm>>, %arg3: memref<32x97x128xi32, #tpu.memory_space<hbm>>, %arg4: memref<32x97x128xi32, #tpu.memory_space<hbm>>, %arg5: memref<2x10240x128xf32, #tpu.memory_space<hbm>>, %arg6: memref<97x128xi32, #tpu.memory_space<vmem>>, %arg7: memref<97x128xi32, #tpu.memory_space<vmem>>, %arg8: memref<128x128xf32, #tpu.memory_space<vmem>>, %arg9: memref<10240x128xf32, #tpu.memory_space<vmem_shared>>, %arg10: memref<!tpu.dma_semaphore, #tpu.memory_space<semaphore_mem>>) attributes {dimension_semantics = [#tpu.dimension_semantics<core_parallel>, #tpu.dimension_semantics<subcore_parallel>], iteration_bounds = array<i64: 2, 16>, scalar_prefetch = 0 : i64, scratch_operands = 5 : i64, tpu.core_type = #tpu.core_type<sc_vector_subcore>, window_params = [{transform_indices = #map}, {transform_indices = #map1}, {transform_indices = #map1}, {transform_indices = #map1}]} {
    %mul3A = arith.constant 16 : i32
    %mul3A_0 = arith.muli %arg0, %mul3A : i32
    %add3A = arith.addi %mul3A_0, %arg1 : i32
    %eq3A = arith.constant 0 : i32
    %eq3A_1 = arith.cmpi eq, %arg0, %eq3A : i32
    %select_n3A = arith.constant 60 : i32
    %select_n3A_2 = arith.constant 97 : i32
    %select_n3A_3 = arith.select %eq3A_1, %select_n3A_2, %select_n3A : i32
    %scan3A = arith.constant 0 : i32
    %scan3A_4 = arith.constant 0 : i32
    %scan3A_5 = arith.constant 128 : i32
    %scan3A_6 = arith.addi %scan3A_4, %scan3A_5 : i32
    %scan3A_7 = arith.constant 1 : i32
    scf.for %scan3A_31 = %scan3A_4 to %scan3A_6 step %scan3A_7  : i32 {
      %broadcast_in_dim3A = arith.constant 0.000000e+00 : f32
      %broadcast_in_dim3A_32 = vector.broadcast %broadcast_in_dim3A : f32 to vector<16xf32>
      %swap3A = arith.index_cast %scan3A_31 : i32 to index
      %swap3A_33 = arith.constant 0 : index
      %swap3A_34 = tpu.vector_load %arg8[%swap3A, %swap3A_33] {strides = array<i32>} : memref<128x128xf32, #tpu.memory_space<vmem>>, vector<1x16xf32>,
      %swap3A_35 = vector.shape_cast %swap3A_34 : vector<1x16xf32> to vector<16xf32>
      %swap3A_36 = vector.shape_cast %broadcast_in_dim3A_32 : vector<16xf32> to vector<1x16xf32>
      tpu.vector_store %arg8[%swap3A, %swap3A_33], %swap3A_36 {strides = array<i32>} : memref<128x128xf32, #tpu.memory_space<vmem>>, vector<1x16xf32>,
      %broadcast_in_dim3A_37 = arith.constant 0.000000e+00 : f32
      %broadcast_in_dim3A_38 = vector.broadcast %broadcast_in_dim3A_37 : f32 to vector<16xf32>
      %swap3A_39 = arith.index_cast %scan3A_31 : i32 to index
      %swap3A_40 = arith.constant 16 : index
      %swap3A_41 = tpu.vector_load %arg8[%swap3A_39, %swap3A_40] {strides = array<i32>} : memref<128x128xf32, #tpu.memory_space<vmem>>, vector<1x16xf32>,
      %swap3A_42 = vector.shape_cast %swap3A_41 : vector<1x16xf32> to vector<16xf32>
      %swap3A_43 = vector.shape_cast %broadcast_in_dim3A_38 : vector<16xf32> to vector<1x16xf32>
      tpu.vector_store %arg8[%swap3A_39, %swap3A_40], %swap3A_43 {strides = array<i32>} : memref<128x128xf32, #tpu.memory_space<vmem>>, vector<1x16xf32>,
      %broadcast_in_dim3A_44 = arith.constant 0.000000e+00 : f32
      %broadcast_in_dim3A_45 = vector.broadcast %broadcast_in_dim3A_44 : f32 to vector<16xf32>
      %swap3A_46 = arith.index_cast %scan3A_31 : i32 to index
      %swap3A_47 = arith.constant 32 : index
      %swap3A_48 = tpu.vector_load %arg8[%swap3A_46, %swap3A_47] {strides = array<i32>} : memref<128x128xf32, #tpu.memory_space<vmem>>, vector<1x16xf32>,
      %swap3A_49 = vector.shape_cast %swap3A_48 : vector<1x16xf32> to vector<16xf32>
      %swap3A_50 = vector.shape_cast %broadcast_in_dim3A_45 : vector<16xf32> to vector<1x16xf32>
      tpu.vector_store %arg8[%swap3A_46, %swap3A_47], %swap3A_50 {strides = array<i32>} : memref<128x128xf32, #tpu.memory_space<vmem>>, vector<1x16xf32>,
      %broadcast_in_dim3A_51 = arith.constant 0.000000e+00 : f32
      %broadcast_in_dim3A_52 = vector.broadcast %broadcast_in_dim3A_51 : f32 to vector<16xf32>
      %swap3A_53 = arith.index_cast %scan3A_31 : i32 to index
      %swap3A_54 = arith.constant 48 : index
      %swap3A_55 = tpu.vector_load %arg8[%swap3A_53, %swap3A_54] {strides = array<i32>} : memref<128x128xf32, #tpu.memory_space<vmem>>, vector<1x16xf32>,
      %swap3A_56 = vector.shape_cast %swap3A_55 : vector<1x16xf32> to vector<16xf32>
      %swap3A_57 = vector.shape_cast %broadcast_in_dim3A_52 : vector<16xf32> to vector<1x16xf32>
      tpu.vector_store %arg8[%swap3A_53, %swap3A_54], %swap3A_57 {strides = array<i32>} : memref<128x128xf32, #tpu.memory_space<vmem>>, vector<1x16xf32>,
      %broadcast_in_dim3A_58 = arith.constant 0.000000e+00 : f32
      %broadcast_in_dim3A_59 = vector.broadcast %broadcast_in_dim3A_58 : f32 to vector<16xf32>
      %swap3A_60 = arith.index_cast %scan3A_31 : i32 to index
      %swap3A_61 = arith.constant 64 : index
      %swap3A_62 = tpu.vector_load %arg8[%swap3A_60, %swap3A_61] {strides = array<i32>} : memref<128x128xf32, #tpu.memory_space<vmem>>, vector<1x16xf32>,
      %swap3A_63 = vector.shape_cast %swap3A_62 : vector<1x16xf32> to vector<16xf32>
      %swap3A_64 = vector.shape_cast %broadcast_in_dim3A_59 : vector<16xf32> to vector<1x16xf32>
      tpu.vector_store %arg8[%swap3A_60, %swap3A_61], %swap3A_64 {strides = array<i32>} : memref<128x128xf32, #tpu.memory_space<vmem>>, vector<1x16xf32>,
      %broadcast_in_dim3A_65 = arith.constant 0.000000e+00 : f32
      %broadcast_in_dim3A_66 = vector.broadcast %broadcast_in_dim3A_65 : f32 to vector<16xf32>
      %swap3A_67 = arith.index_cast %scan3A_31 : i32 to index
      %swap3A_68 = arith.constant 80 : index
      %swap3A_69 = tpu.vector_load %arg8[%swap3A_67, %swap3A_68] {strides = array<i32>} : memref<128x128xf32, #tpu.memory_space<vmem>>, vector<1x16xf32>,
      %swap3A_70 = vector.shape_cast %swap3A_69 : vector<1x16xf32> to vector<16xf32>
      %swap3A_71 = vector.shape_cast %broadcast_in_dim3A_66 : vector<16xf32> to vector<1x16xf32>
      tpu.vector_store %arg8[%swap3A_67, %swap3A_68], %swap3A_71 {strides = array<i32>} : memref<128x128xf32, #tpu.memory_space<vmem>>, vector<1x16xf32>,
      %broadcast_in_dim3A_72 = arith.constant 0.000000e+00 : f32
      %broadcast_in_dim3A_73 = vector.broadcast %broadcast_in_dim3A_72 : f32 to vector<16xf32>
      %swap3A_74 = arith.index_cast %scan3A_31 : i32 to index
      %swap3A_75 = arith.constant 96 : index
      %swap3A_76 = tpu.vector_load %arg8[%swap3A_74, %swap3A_75] {strides = array<i32>} : memref<128x128xf32, #tpu.memory_space<vmem>>, vector<1x16xf32>,
      %swap3A_77 = vector.shape_cast %swap3A_76 : vector<1x16xf32> to vector<16xf32>
      %swap3A_78 = vector.shape_cast %broadcast_in_dim3A_73 : vector<16xf32> to vector<1x16xf32>
      tpu.vector_store %arg8[%swap3A_74, %swap3A_75], %swap3A_78 {strides = array<i32>} : memref<128x128xf32, #tpu.memory_space<vmem>>, vector<1x16xf32>,
      %broadcast_in_dim3A_79 = arith.constant 0.000000e+00 : f32
      %broadcast_in_dim3A_80 = vector.broadcast %broadcast_in_dim3A_79 : f32 to vector<16xf32>
      %swap3A_81 = arith.index_cast %scan3A_31 : i32 to index
      %swap3A_82 = arith.constant 112 : index
      %swap3A_83 = tpu.vector_load %arg8[%swap3A_81, %swap3A_82] {strides = array<i32>} : memref<128x128xf32, #tpu.memory_space<vmem>>, vector<1x16xf32>,
      %swap3A_84 = vector.shape_cast %swap3A_83 : vector<1x16xf32> to vector<16xf32>
      %swap3A_85 = vector.shape_cast %broadcast_in_dim3A_80 : vector<16xf32> to vector<1x16xf32>
      tpu.vector_store %arg8[%swap3A_81, %swap3A_82], %swap3A_85 {strides = array<i32>} : memref<128x128xf32, #tpu.memory_space<vmem>>, vector<1x16xf32>,
    }
    %scan3A_8 = arith.constant 128 : i32
    %mul3A_9 = arith.constant 640 : i32
    %mul3A_10 = arith.muli %arg1, %mul3A_9 : i32
    %add3A_11 = arith.constant 0 : i32
    %add3A_12 = arith.addi %mul3A_10, %add3A_11 : i32
    "tpu.region"() ({
      %run_scoped3A = tpu.sem_alloc : memref<!tpu.dma_semaphore, #tpu.memory_space<semaphore_mem>>
      %dma_start3A = arith.constant 0 : i32
      %dma_start3A_31 = arith.constant 0 : i32
      %dma_start3A_32 = tpu.memref_slice %arg8[%dma_start3A, %dma_start3A_31] : memref<128x128xf32, #tpu.memory_space<vmem>> -> memref<128x128xf32, #tpu.memory_space<vmem>>
      %dma_start3A_33 = arith.constant 0 : i32
      %dma_start3A_34 = tpu.memref_slice %arg9[%add3A_12, %dma_start3A_33] : memref<10240x128xf32, #tpu.memory_space<vmem_shared>> -> memref<128x128xf32, #tpu.memory_space<vmem_shared>>
      %dma_start3A_35 = arith.constant 0 : i32
      %dma_start3A_36 = tpu.memref_slice %arg9[%add3A_12, %dma_start3A_35] : memref<10240x128xf32, #tpu.memory_space<vmem_shared>> -> memref<128x128xf32, #tpu.memory_space<vmem_shared>>
      %dma_start3A_37 = arith.constant 0 : i32
      %dma_start3A_38 = arith.constant 0 : i32
      %dma_start3A_39 = tpu.memref_slice %arg8[%dma_start3A_37, %dma_start3A_38] : memref<128x128xf32, #tpu.memory_space<vmem>> -> memref<128x128xf32, #tpu.memory_space<vmem>>
      tpu.enqueue_dma source(%dma_start3A_39 : memref<128x128xf32, #tpu.memory_space<vmem>>) target(%dma_start3A_36 : memref<128x128xf32, #tpu.memory_space<vmem_shared>>) target_semaphore(%run_scoped3A : memref<!tpu.dma_semaphore, #tpu.memory_space<semaphore_mem>>)
      %dma_wait3A = arith.constant 0 : i32
      %dma_wait3A_40 = arith.constant 0 : i32
      %dma_wait3A_41 = tpu.memref_slice %arg8[%dma_wait3A, %dma_wait3A_40] : memref<128x128xf32, #tpu.memory_space<vmem>> -> memref<128x128xf32, #tpu.memory_space<vmem>>
      %dma_wait3A_42 = arith.constant 0 : i32
      %dma_wait3A_43 = tpu.memref_slice %arg9[%add3A_12, %dma_wait3A_42] : memref<10240x128xf32, #tpu.memory_space<vmem_shared>> -> memref<128x128xf32, #tpu.memory_space<vmem_shared>>
      %dma_wait3A_44 = arith.constant 0 : i32
      %dma_wait3A_45 = tpu.memref_slice %arg9[%add3A_12, %dma_wait3A_44] : memref<10240x128xf32, #tpu.memory_space<vmem_shared>> -> memref<128x128xf32, #tpu.memory_space<vmem_shared>>
      %dma_wait3A_46 = arith.constant 0 : i32
      %dma_wait3A_47 = arith.constant 0 : i32
      %dma_wait3A_48 = tpu.memref_slice %arg8[%dma_wait3A_46, %dma_wait3A_47] : memref<128x128xf32, #tpu.memory_space<vmem>> -> memref<128x128xf32, #tpu.memory_space<vmem>>
      tpu.wait_dma2 semaphore(%run_scoped3A : memref<!tpu.dma_semaphore, #tpu.memory_space<semaphore_mem>>) src(%dma_wait3A_48 : memref<128x128xf32, #tpu.memory_space<vmem>>) dst(%dma_wait3A_45 : memref<128x128xf32, #tpu.memory_space<vmem_shared>>)
      tpu.yield
    }) : () -> ()
    %add3A_13 = arith.constant 128 : i32
    %add3A_14 = arith.addi %mul3A_10, %add3A_13 : i32
    "tpu.region"() ({
      %run_scoped3A = tpu.sem_alloc : memref<!tpu.dma_semaphore, #tpu.memory_space<semaphore_mem>>
      %dma_start3A = arith.constant 0 : i32
      %dma_start3A_31 = arith.constant 0 : i32
      %dma_start3A_32 = tpu.memref_slice %arg8[%dma_start3A, %dma_start3A_31] : memref<128x128xf32, #tpu.memory_space<vmem>> -> memref<128x128xf32, #tpu.memory_space<vmem>>
      %dma_start3A_33 = arith.constant 0 : i32
      %dma_start3A_34 = tpu.memref_slice %arg9[%add3A_14, %dma_start3A_33] : memref<10240x128xf32, #tpu.memory_space<vmem_shared>> -> memref<128x128xf32, #tpu.memory_space<vmem_shared>>
      %dma_start3A_35 = arith.constant 0 : i32
      %dma_start3A_36 = tpu.memref_slice %arg9[%add3A_14, %dma_start3A_35] : memref<10240x128xf32, #tpu.memory_space<vmem_shared>> -> memref<128x128xf32, #tpu.memory_space<vmem_shared>>
      %dma_start3A_37 = arith.constant 0 : i32
      %dma_start3A_38 = arith.constant 0 : i32
      %dma_start3A_39 = tpu.memref_slice %arg8[%dma_start3A_37, %dma_start3A_38] : memref<128x128xf32, #tpu.memory_space<vmem>> -> memref<128x128xf32, #tpu.memory_space<vmem>>
      tpu.enqueue_dma source(%dma_start3A_39 : memref<128x128xf32, #tpu.memory_space<vmem>>) target(%dma_start3A_36 : memref<128x128xf32, #tpu.memory_space<vmem_shared>>) target_semaphore(%run_scoped3A : memref<!tpu.dma_semaphore, #tpu.memory_space<semaphore_mem>>)
      %dma_wait3A = arith.constant 0 : i32
      %dma_wait3A_40 = arith.constant 0 : i32
      %dma_wait3A_41 = tpu.memref_slice %arg8[%dma_wait3A, %dma_wait3A_40] : memref<128x128xf32, #tpu.memory_space<vmem>> -> memref<128x128xf32, #tpu.memory_space<vmem>>
      %dma_wait3A_42 = arith.constant 0 : i32
      %dma_wait3A_43 = tpu.memref_slice %arg9[%add3A_14, %dma_wait3A_42] : memref<10240x128xf32, #tpu.memory_space<vmem_shared>> -> memref<128x128xf32, #tpu.memory_space<vmem_shared>>
      %dma_wait3A_44 = arith.constant 0 : i32
      %dma_wait3A_45 = tpu.memref_slice %arg9[%add3A_14, %dma_wait3A_44] : memref<10240x128xf32, #tpu.memory_space<vmem_shared>> -> memref<128x128xf32, #tpu.memory_space<vmem_shared>>
      %dma_wait3A_46 = arith.constant 0 : i32
      %dma_wait3A_47 = arith.constant 0 : i32
      %dma_wait3A_48 = tpu.memref_slice %arg8[%dma_wait3A_46, %dma_wait3A_47] : memref<128x128xf32, #tpu.memory_space<vmem>> -> memref<128x128xf32, #tpu.memory_space<vmem>>
      tpu.wait_dma2 semaphore(%run_scoped3A : memref<!tpu.dma_semaphore, #tpu.memory_space<semaphore_mem>>) src(%dma_wait3A_48 : memref<128x128xf32, #tpu.memory_space<vmem>>) dst(%dma_wait3A_45 : memref<128x128xf32, #tpu.memory_space<vmem_shared>>)
      tpu.yield
    }) : () -> ()
    %add3A_15 = arith.constant 256 : i32
    %add3A_16 = arith.addi %mul3A_10, %add3A_15 : i32
    "tpu.region"() ({
      %run_scoped3A = tpu.sem_alloc : memref<!tpu.dma_semaphore, #tpu.memory_space<semaphore_mem>>
      %dma_start3A = arith.constant 0 : i32
      %dma_start3A_31 = arith.constant 0 : i32
      %dma_start3A_32 = tpu.memref_slice %arg8[%dma_start3A, %dma_start3A_31] : memref<128x128xf32, #tpu.memory_space<vmem>> -> memref<128x128xf32, #tpu.memory_space<vmem>>
      %dma_start3A_33 = arith.constant 0 : i32
      %dma_start3A_34 = tpu.memref_slice %arg9[%add3A_16, %dma_start3A_33] : memref<10240x128xf32, #tpu.memory_space<vmem_shared>> -> memref<128x128xf32, #tpu.memory_space<vmem_shared>>
      %dma_start3A_35 = arith.constant 0 : i32
      %dma_start3A_36 = tpu.memref_slice %arg9[%add3A_16, %dma_start3A_35] : memref<10240x128xf32, #tpu.memory_space<vmem_shared>> -> memref<128x128xf32, #tpu.memory_space<vmem_shared>>
      %dma_start3A_37 = arith.constant 0 : i32
      %dma_start3A_38 = arith.constant 0 : i32
      %dma_start3A_39 = tpu.memref_slice %arg8[%dma_start3A_37, %dma_start3A_38] : memref<128x128xf32, #tpu.memory_space<vmem>> -> memref<128x128xf32, #tpu.memory_space<vmem>>
      tpu.enqueue_dma source(%dma_start3A_39 : memref<128x128xf32, #tpu.memory_space<vmem>>) target(%dma_start3A_36 : memref<128x128xf32, #tpu.memory_space<vmem_shared>>) target_semaphore(%run_scoped3A : memref<!tpu.dma_semaphore, #tpu.memory_space<semaphore_mem>>)
      %dma_wait3A = arith.constant 0 : i32
      %dma_wait3A_40 = arith.constant 0 : i32
      %dma_wait3A_41 = tpu.memref_slice %arg8[%dma_wait3A, %dma_wait3A_40] : memref<128x128xf32, #tpu.memory_space<vmem>> -> memref<128x128xf32, #tpu.memory_space<vmem>>
      %dma_wait3A_42 = arith.constant 0 : i32
      %dma_wait3A_43 = tpu.memref_slice %arg9[%add3A_16, %dma_wait3A_42] : memref<10240x128xf32, #tpu.memory_space<vmem_shared>> -> memref<128x128xf32, #tpu.memory_space<vmem_shared>>
      %dma_wait3A_44 = arith.constant 0 : i32
      %dma_wait3A_45 = tpu.memref_slice %arg9[%add3A_16, %dma_wait3A_44] : memref<10240x128xf32, #tpu.memory_space<vmem_shared>> -> memref<128x128xf32, #tpu.memory_space<vmem_shared>>
      %dma_wait3A_46 = arith.constant 0 : i32
      %dma_wait3A_47 = arith.constant 0 : i32
      %dma_wait3A_48 = tpu.memref_slice %arg8[%dma_wait3A_46, %dma_wait3A_47] : memref<128x128xf32, #tpu.memory_space<vmem>> -> memref<128x128xf32, #tpu.memory_space<vmem>>
      tpu.wait_dma2 semaphore(%run_scoped3A : memref<!tpu.dma_semaphore, #tpu.memory_space<semaphore_mem>>) src(%dma_wait3A_48 : memref<128x128xf32, #tpu.memory_space<vmem>>) dst(%dma_wait3A_45 : memref<128x128xf32, #tpu.memory_space<vmem_shared>>)
      tpu.yield
    }) : () -> ()
    %add3A_17 = arith.constant 384 : i32
    %add3A_18 = arith.addi %mul3A_10, %add3A_17 : i32
    "tpu.region"() ({
      %run_scoped3A = tpu.sem_alloc : memref<!tpu.dma_semaphore, #tpu.memory_space<semaphore_mem>>
      %dma_start3A = arith.constant 0 : i32
      %dma_start3A_31 = arith.constant 0 : i32
      %dma_start3A_32 = tpu.memref_slice %arg8[%dma_start3A, %dma_start3A_31] : memref<128x128xf32, #tpu.memory_space<vmem>> -> memref<128x128xf32, #tpu.memory_space<vmem>>
      %dma_start3A_33 = arith.constant 0 : i32
      %dma_start3A_34 = tpu.memref_slice %arg9[%add3A_18, %dma_start3A_33] : memref<10240x128xf32, #tpu.memory_space<vmem_shared>> -> memref<128x128xf32, #tpu.memory_space<vmem_shared>>
      %dma_start3A_35 = arith.constant 0 : i32
      %dma_start3A_36 = tpu.memref_slice %arg9[%add3A_18, %dma_start3A_35] : memref<10240x128xf32, #tpu.memory_space<vmem_shared>> -> memref<128x128xf32, #tpu.memory_space<vmem_shared>>
      %dma_start3A_37 = arith.constant 0 : i32
      %dma_start3A_38 = arith.constant 0 : i32
      %dma_start3A_39 = tpu.memref_slice %arg8[%dma_start3A_37, %dma_start3A_38] : memref<128x128xf32, #tpu.memory_space<vmem>> -> memref<128x128xf32, #tpu.memory_space<vmem>>
      tpu.enqueue_dma source(%dma_start3A_39 : memref<128x128xf32, #tpu.memory_space<vmem>>) target(%dma_start3A_36 : memref<128x128xf32, #tpu.memory_space<vmem_shared>>) target_semaphore(%run_scoped3A : memref<!tpu.dma_semaphore, #tpu.memory_space<semaphore_mem>>)
      %dma_wait3A = arith.constant 0 : i32
      %dma_wait3A_40 = arith.constant 0 : i32
      %dma_wait3A_41 = tpu.memref_slice %arg8[%dma_wait3A, %dma_wait3A_40] : memref<128x128xf32, #tpu.memory_space<vmem>> -> memref<128x128xf32, #tpu.memory_space<vmem>>
      %dma_wait3A_42 = arith.constant 0 : i32
      %dma_wait3A_43 = tpu.memref_slice %arg9[%add3A_18, %dma_wait3A_42] : memref<10240x128xf32, #tpu.memory_space<vmem_shared>> -> memref<128x128xf32, #tpu.memory_space<vmem_shared>>
      %dma_wait3A_44 = arith.constant 0 : i32
      %dma_wait3A_45 = tpu.memref_slice %arg9[%add3A_18, %dma_wait3A_44] : memref<10240x128xf32, #tpu.memory_space<vmem_shared>> -> memref<128x128xf32, #tpu.memory_space<vmem_shared>>
      %dma_wait3A_46 = arith.constant 0 : i32
      %dma_wait3A_47 = arith.constant 0 : i32
      %dma_wait3A_48 = tpu.memref_slice %arg8[%dma_wait3A_46, %dma_wait3A_47] : memref<128x128xf32, #tpu.memory_space<vmem>> -> memref<128x128xf32, #tpu.memory_space<vmem>>
      tpu.wait_dma2 semaphore(%run_scoped3A : memref<!tpu.dma_semaphore, #tpu.memory_space<semaphore_mem>>) src(%dma_wait3A_48 : memref<128x128xf32, #tpu.memory_space<vmem>>) dst(%dma_wait3A_45 : memref<128x128xf32, #tpu.memory_space<vmem_shared>>)
      tpu.yield
    }) : () -> ()
    %add3A_19 = arith.constant 512 : i32
    %add3A_20 = arith.addi %mul3A_10, %add3A_19 : i32
    "tpu.region"() ({
      %run_scoped3A = tpu.sem_alloc : memref<!tpu.dma_semaphore, #tpu.memory_space<semaphore_mem>>
      %dma_start3A = arith.constant 0 : i32
      %dma_start3A_31 = arith.constant 0 : i32
      %dma_start3A_32 = tpu.memref_slice %arg8[%dma_start3A, %dma_start3A_31] : memref<128x128xf32, #tpu.memory_space<vmem>> -> memref<128x128xf32, #tpu.memory_space<vmem>>
      %dma_start3A_33 = arith.constant 0 : i32
      %dma_start3A_34 = tpu.memref_slice %arg9[%add3A_20, %dma_start3A_33] : memref<10240x128xf32, #tpu.memory_space<vmem_shared>> -> memref<128x128xf32, #tpu.memory_space<vmem_shared>>
      %dma_start3A_35 = arith.constant 0 : i32
      %dma_start3A_36 = tpu.memref_slice %arg9[%add3A_20, %dma_start3A_35] : memref<10240x128xf32, #tpu.memory_space<vmem_shared>> -> memref<128x128xf32, #tpu.memory_space<vmem_shared>>
      %dma_start3A_37 = arith.constant 0 : i32
      %dma_start3A_38 = arith.constant 0 : i32
      %dma_start3A_39 = tpu.memref_slice %arg8[%dma_start3A_37, %dma_start3A_38] : memref<128x128xf32, #tpu.memory_space<vmem>> -> memref<128x128xf32, #tpu.memory_space<vmem>>
      tpu.enqueue_dma source(%dma_start3A_39 : memref<128x128xf32, #tpu.memory_space<vmem>>) target(%dma_start3A_36 : memref<128x128xf32, #tpu.memory_space<vmem_shared>>) target_semaphore(%run_scoped3A : memref<!tpu.dma_semaphore, #tpu.memory_space<semaphore_mem>>)
      %dma_wait3A = arith.constant 0 : i32
      %dma_wait3A_40 = arith.constant 0 : i32
      %dma_wait3A_41 = tpu.memref_slice %arg8[%dma_wait3A, %dma_wait3A_40] : memref<128x128xf32, #tpu.memory_space<vmem>> -> memref<128x128xf32, #tpu.memory_space<vmem>>
      %dma_wait3A_42 = arith.constant 0 : i32
      %dma_wait3A_43 = tpu.memref_slice %arg9[%add3A_20, %dma_wait3A_42] : memref<10240x128xf32, #tpu.memory_space<vmem_shared>> -> memref<128x128xf32, #tpu.memory_space<vmem_shared>>
      %dma_wait3A_44 = arith.constant 0 : i32
      %dma_wait3A_45 = tpu.memref_slice %arg9[%add3A_20, %dma_wait3A_44] : memref<10240x128xf32, #tpu.memory_space<vmem_shared>> -> memref<128x128xf32, #tpu.memory_space<vmem_shared>>
      %dma_wait3A_46 = arith.constant 0 : i32
      %dma_wait3A_47 = arith.constant 0 : i32
      %dma_wait3A_48 = tpu.memref_slice %arg8[%dma_wait3A_46, %dma_wait3A_47] : memref<128x128xf32, #tpu.memory_space<vmem>> -> memref<128x128xf32, #tpu.memory_space<vmem>>
      tpu.wait_dma2 semaphore(%run_scoped3A : memref<!tpu.dma_semaphore, #tpu.memory_space<semaphore_mem>>) src(%dma_wait3A_48 : memref<128x128xf32, #tpu.memory_space<vmem>>) dst(%dma_wait3A_45 : memref<128x128xf32, #tpu.memory_space<vmem_shared>>)
      tpu.yield
    }) : () -> ()
    %barrier3A = arith.constant 0 : index
    tpu.barrier barrier_id(%barrier3A)
    "tpu.region"() ({
      %run_scoped3A = tpu.sem_alloc : memref<!tpu.dma_semaphore, #tpu.memory_space<semaphore_mem>>
      %dma_start3A = arith.constant 0 : i32
      %dma_start3A_31 = arith.constant 0 : i32
      %dma_start3A_32 = tpu.memref_slice %arg3[%add3A, %dma_start3A, %dma_start3A_31] : memref<32x97x128xi32, #tpu.memory_space<hbm>> -> memref<1x97x128xi32, #tpu.memory_space<hbm>>
      %dma_start3A_33 = tpu.memref_squeeze %dma_start3A_32 : memref<1x97x128xi32, #tpu.memory_space<hbm>> -> memref<97x128xi32, #tpu.memory_space<hbm>>
      %dma_start3A_34 = arith.constant 0 : i32
      %dma_start3A_35 = arith.constant 0 : i32
      %dma_start3A_36 = tpu.memref_slice %arg3[%add3A, %dma_start3A_34, %dma_start3A_35] : memref<32x97x128xi32, #tpu.memory_space<hbm>> -> memref<1x97x128xi32, #tpu.memory_space<hbm>>
      %dma_start3A_37 = tpu.memref_squeeze %dma_start3A_36 : memref<1x97x128xi32, #tpu.memory_space<hbm>> -> memref<97x128xi32, #tpu.memory_space<hbm>>
      tpu.enqueue_dma source(%dma_start3A_37 : memref<97x128xi32, #tpu.memory_space<hbm>>) target(%arg6 : memref<97x128xi32, #tpu.memory_space<vmem>>) target_semaphore(%run_scoped3A : memref<!tpu.dma_semaphore, #tpu.memory_space<semaphore_mem>>)
      %dma_wait3A = arith.constant 0 : i32
      %dma_wait3A_38 = arith.constant 0 : i32
      %dma_wait3A_39 = tpu.memref_slice %arg3[%add3A, %dma_wait3A, %dma_wait3A_38] : memref<32x97x128xi32, #tpu.memory_space<hbm>> -> memref<1x97x128xi32, #tpu.memory_space<hbm>>
      %dma_wait3A_40 = tpu.memref_squeeze %dma_wait3A_39 : memref<1x97x128xi32, #tpu.memory_space<hbm>> -> memref<97x128xi32, #tpu.memory_space<hbm>>
      %dma_wait3A_41 = arith.constant 0 : i32
      %dma_wait3A_42 = arith.constant 0 : i32
      %dma_wait3A_43 = tpu.memref_slice %arg3[%add3A, %dma_wait3A_41, %dma_wait3A_42] : memref<32x97x128xi32, #tpu.memory_space<hbm>> -> memref<1x97x128xi32, #tpu.memory_space<hbm>>
      %dma_wait3A_44 = tpu.memref_squeeze %dma_wait3A_43 : memref<1x97x128xi32, #tpu.memory_space<hbm>> -> memref<97x128xi32, #tpu.memory_space<hbm>>
      tpu.wait_dma2 semaphore(%run_scoped3A : memref<!tpu.dma_semaphore, #tpu.memory_space<semaphore_mem>>) src(%dma_wait3A_44 : memref<97x128xi32, #tpu.memory_space<hbm>>) dst(%arg6 : memref<97x128xi32, #tpu.memory_space<vmem>>)
      tpu.yield
    }) : () -> ()
    "tpu.region"() ({
      %run_scoped3A = tpu.sem_alloc : memref<!tpu.dma_semaphore, #tpu.memory_space<semaphore_mem>>
      %dma_start3A = arith.constant 0 : i32
      %dma_start3A_31 = arith.constant 0 : i32
      %dma_start3A_32 = tpu.memref_slice %arg4[%add3A, %dma_start3A, %dma_start3A_31] : memref<32x97x128xi32, #tpu.memory_space<hbm>> -> memref<1x97x128xi32, #tpu.memory_space<hbm>>
      %dma_start3A_33 = tpu.memref_squeeze %dma_start3A_32 : memref<1x97x128xi32, #tpu.memory_space<hbm>> -> memref<97x128xi32, #tpu.memory_space<hbm>>
      %dma_start3A_34 = arith.constant 0 : i32
      %dma_start3A_35 = arith.constant 0 : i32
      %dma_start3A_36 = tpu.memref_slice %arg4[%add3A, %dma_start3A_34, %dma_start3A_35] : memref<32x97x128xi32, #tpu.memory_space<hbm>> -> memref<1x97x128xi32, #tpu.memory_space<hbm>>
      %dma_start3A_37 = tpu.memref_squeeze %dma_start3A_36 : memref<1x97x128xi32, #tpu.memory_space<hbm>> -> memref<97x128xi32, #tpu.memory_space<hbm>>
      tpu.enqueue_dma source(%dma_start3A_37 : memref<97x128xi32, #tpu.memory_space<hbm>>) target(%arg7 : memref<97x128xi32, #tpu.memory_space<vmem>>) target_semaphore(%run_scoped3A : memref<!tpu.dma_semaphore, #tpu.memory_space<semaphore_mem>>)
      %dma_wait3A = arith.constant 0 : i32
      %dma_wait3A_38 = arith.constant 0 : i32
      %dma_wait3A_39 = tpu.memref_slice %arg4[%add3A, %dma_wait3A, %dma_wait3A_38] : memref<32x97x128xi32, #tpu.memory_space<hbm>> -> memref<1x97x128xi32, #tpu.memory_space<hbm>>
      %dma_wait3A_40 = tpu.memref_squeeze %dma_wait3A_39 : memref<1x97x128xi32, #tpu.memory_space<hbm>> -> memref<97x128xi32, #tpu.memory_space<hbm>>
      %dma_wait3A_41 = arith.constant 0 : i32
      %dma_wait3A_42 = arith.constant 0 : i32
      %dma_wait3A_43 = tpu.memref_slice %arg4[%add3A, %dma_wait3A_41, %dma_wait3A_42] : memref<32x97x128xi32, #tpu.memory_space<hbm>> -> memref<1x97x128xi32, #tpu.memory_space<hbm>>
      %dma_wait3A_44 = tpu.memref_squeeze %dma_wait3A_43 : memref<1x97x128xi32, #tpu.memory_space<hbm>> -> memref<97x128xi32, #tpu.memory_space<hbm>>
      tpu.wait_dma2 semaphore(%run_scoped3A : memref<!tpu.dma_semaphore, #tpu.memory_space<semaphore_mem>>) src(%dma_wait3A_44 : memref<97x128xi32, #tpu.memory_space<hbm>>) dst(%arg7 : memref<97x128xi32, #tpu.memory_space<vmem>>)
      tpu.yield
    }) : () -> ()
    %while3A = arith.constant 0 : i32
    %while3A_21 = arith.constant 0 : i32
    %while3A_22 = arith.subi %select_n3A_3, %while3A_21 : i32
    %while3A_23 = arith.addi %while3A_21, %while3A_22 : i32
    %while3A_24 = arith.constant 1 : i32
    %while3A_25 = arith.divsi %while3A_22, %while3A_24 : i32
    %while3A_26 = arith.muli %while3A_25, %while3A_24 : i32
    %while3A_27 = arith.addi %while3A_21, %while3A_26 : i32
    %while3A_28 = arith.constant 1 : i32
    scf.for %while3A_31 = %while3A_21 to %while3A_27 step %while3A_28  : i32 {
      %dma_start3A = arith.constant 0 : i32
      %dma_start3A_32 = tpu.memref_slice %arg6[%while3A_31, %dma_start3A] : memref<97x128xi32, #tpu.memory_space<vmem>> -> memref<1x128xi32, #tpu.memory_space<vmem>>
      %dma_start3A_33 = tpu.memref_squeeze %dma_start3A_32 : memref<1x128xi32, #tpu.memory_space<vmem>> -> memref<128xi32, #tpu.memory_space<vmem>>
      %dma_start3A_34 = arith.constant 0 : i32
      %dma_start3A_35 = arith.constant 0 : i32
      %dma_start3A_36 = tpu.memref_slice %arg2[%dma_start3A_34, %dma_start3A_35] : memref<10000x128xf32, #tpu.memory_space<hbm>> -> memref<10000x128xf32, #tpu.memory_space<hbm>>
      tpu.enqueue_indirect_dma source(%dma_start3A_36 : memref<10000x128xf32, #tpu.memory_space<hbm>>) target(%arg8 : memref<128x128xf32, #tpu.memory_space<vmem>>) offsets(%dma_start3A_33 : memref<128xi32, #tpu.memory_space<vmem>>) semaphore(%arg10 : memref<!tpu.dma_semaphore, #tpu.memory_space<semaphore_mem>>)
      %dma_wait3A = arith.constant 0 : i32
      %dma_wait3A_37 = tpu.memref_slice %arg6[%while3A_31, %dma_wait3A] : memref<97x128xi32, #tpu.memory_space<vmem>> -> memref<1x128xi32, #tpu.memory_space<vmem>>
      %dma_wait3A_38 = tpu.memref_squeeze %dma_wait3A_37 : memref<1x128xi32, #tpu.memory_space<vmem>> -> memref<128xi32, #tpu.memory_space<vmem>>
      %dma_wait3A_39 = arith.constant 0 : i32
      %dma_wait3A_40 = arith.constant 0 : i32
      %dma_wait3A_41 = tpu.memref_slice %arg2[%dma_wait3A_39, %dma_wait3A_40] : memref<10000x128xf32, #tpu.memory_space<hbm>> -> memref<10000x128xf32, #tpu.memory_space<hbm>>
      tpu.wait_indirect_dma semaphore(%arg10 : memref<!tpu.dma_semaphore, #tpu.memory_space<semaphore_mem>>) src(%dma_wait3A_41 : memref<10000x128xf32, #tpu.memory_space<hbm>>) dst(%arg8 : memref<128x128xf32, #tpu.memory_space<vmem>>)
      "tpu.region"() ({
        %run_scoped3A = tpu.sem_alloc : memref<!tpu.dma_semaphore, #tpu.memory_space<semaphore_mem>>
        %dma_start3A_42 = arith.constant 0 : i32
        %dma_start3A_43 = tpu.memref_slice %arg7[%while3A_31, %dma_start3A_42] : memref<97x128xi32, #tpu.memory_space<vmem>> -> memref<1x128xi32, #tpu.memory_space<vmem>>
        %dma_start3A_44 = tpu.memref_squeeze %dma_start3A_43 : memref<1x128xi32, #tpu.memory_space<vmem>> -> memref<128xi32, #tpu.memory_space<vmem>>
        %dma_start3A_45 = arith.constant 0 : i32
        %dma_start3A_46 = arith.constant 0 : i32
        %dma_start3A_47 = tpu.memref_slice %arg9[%dma_start3A_45, %dma_start3A_46] : memref<10240x128xf32, #tpu.memory_space<vmem_shared>> -> memref<10240x128xf32, #tpu.memory_space<vmem_shared>>
        tpu.enqueue_indirect_dma source(%arg8 : memref<128x128xf32, #tpu.memory_space<vmem>>) target(%dma_start3A_47 : memref<10240x128xf32, #tpu.memory_space<vmem_shared>>) offsets(%dma_start3A_44 : memref<128xi32, #tpu.memory_space<vmem>>) semaphore(%run_scoped3A : memref<!tpu.dma_semaphore, #tpu.memory_space<semaphore_mem>>) {add = true}
        %dma_wait3A_48 = arith.constant 0 : i32
        %dma_wait3A_49 = tpu.memref_slice %arg7[%while3A_31, %dma_wait3A_48] : memref<97x128xi32, #tpu.memory_space<vmem>> -> memref<1x128xi32, #tpu.memory_space<vmem>>
        %dma_wait3A_50 = tpu.memref_squeeze %dma_wait3A_49 : memref<1x128xi32, #tpu.memory_space<vmem>> -> memref<128xi32, #tpu.memory_space<vmem>>
        %dma_wait3A_51 = arith.constant 0 : i32
        %dma_wait3A_52 = arith.constant 0 : i32
        %dma_wait3A_53 = tpu.memref_slice %arg9[%dma_wait3A_51, %dma_wait3A_52] : memref<10240x128xf32, #tpu.memory_space<vmem_shared>> -> memref<10240x128xf32, #tpu.memory_space<vmem_shared>>
        tpu.wait_indirect_dma semaphore(%run_scoped3A : memref<!tpu.dma_semaphore, #tpu.memory_space<semaphore_mem>>) src(%arg8 : memref<128x128xf32, #tpu.memory_space<vmem>>) dst(%dma_wait3A_53 : memref<10240x128xf32, #tpu.memory_space<vmem_shared>>)
        tpu.yield
      }) : () -> ()
    }
    %while3A_29 = arith.constant 1 : i32
    scf.for %while3A_31 = %while3A_27 to %while3A_23 step %while3A_29  : i32 {
      %dma_start3A = arith.constant 0 : i32
      %dma_start3A_32 = tpu.memref_slice %arg6[%while3A_31, %dma_start3A] : memref<97x128xi32, #tpu.memory_space<vmem>> -> memref<1x128xi32, #tpu.memory_space<vmem>>
      %dma_start3A_33 = tpu.memref_squeeze %dma_start3A_32 : memref<1x128xi32, #tpu.memory_space<vmem>> -> memref<128xi32, #tpu.memory_space<vmem>>
      %dma_start3A_34 = arith.constant 0 : i32
      %dma_start3A_35 = arith.constant 0 : i32
      %dma_start3A_36 = tpu.memref_slice %arg2[%dma_start3A_34, %dma_start3A_35] : memref<10000x128xf32, #tpu.memory_space<hbm>> -> memref<10000x128xf32, #tpu.memory_space<hbm>>
      tpu.enqueue_indirect_dma source(%dma_start3A_36 : memref<10000x128xf32, #tpu.memory_space<hbm>>) target(%arg8 : memref<128x128xf32, #tpu.memory_space<vmem>>) offsets(%dma_start3A_33 : memref<128xi32, #tpu.memory_space<vmem>>) semaphore(%arg10 : memref<!tpu.dma_semaphore, #tpu.memory_space<semaphore_mem>>)
      %dma_wait3A = arith.constant 0 : i32
      %dma_wait3A_37 = tpu.memref_slice %arg6[%while3A_31, %dma_wait3A] : memref<97x128xi32, #tpu.memory_space<vmem>> -> memref<1x128xi32, #tpu.memory_space<vmem>>
      %dma_wait3A_38 = tpu.memref_squeeze %dma_wait3A_37 : memref<1x128xi32, #tpu.memory_space<vmem>> -> memref<128xi32, #tpu.memory_space<vmem>>
      %dma_wait3A_39 = arith.constant 0 : i32
      %dma_wait3A_40 = arith.constant 0 : i32
      %dma_wait3A_41 = tpu.memref_slice %arg2[%dma_wait3A_39, %dma_wait3A_40] : memref<10000x128xf32, #tpu.memory_space<hbm>> -> memref<10000x128xf32, #tpu.memory_space<hbm>>
      tpu.wait_indirect_dma semaphore(%arg10 : memref<!tpu.dma_semaphore, #tpu.memory_space<semaphore_mem>>) src(%dma_wait3A_41 : memref<10000x128xf32, #tpu.memory_space<hbm>>) dst(%arg8 : memref<128x128xf32, #tpu.memory_space<vmem>>)
      "tpu.region"() ({
        %run_scoped3A = tpu.sem_alloc : memref<!tpu.dma_semaphore, #tpu.memory_space<semaphore_mem>>
        %dma_start3A_42 = arith.constant 0 : i32
        %dma_start3A_43 = tpu.memref_slice %arg7[%while3A_31, %dma_start3A_42] : memref<97x128xi32, #tpu.memory_space<vmem>> -> memref<1x128xi32, #tpu.memory_space<vmem>>
        %dma_start3A_44 = tpu.memref_squeeze %dma_start3A_43 : memref<1x128xi32, #tpu.memory_space<vmem>> -> memref<128xi32, #tpu.memory_space<vmem>>
        %dma_start3A_45 = arith.constant 0 : i32
        %dma_start3A_46 = arith.constant 0 : i32
        %dma_start3A_47 = tpu.memref_slice %arg9[%dma_start3A_45, %dma_start3A_46] : memref<10240x128xf32, #tpu.memory_space<vmem_shared>> -> memref<10240x128xf32, #tpu.memory_space<vmem_shared>>
        tpu.enqueue_indirect_dma source(%arg8 : memref<128x128xf32, #tpu.memory_space<vmem>>) target(%dma_start3A_47 : memref<10240x128xf32, #tpu.memory_space<vmem_shared>>) offsets(%dma_start3A_44 : memref<128xi32, #tpu.memory_space<vmem>>) semaphore(%run_scoped3A : memref<!tpu.dma_semaphore, #tpu.memory_space<semaphore_mem>>) {add = true}
        %dma_wait3A_48 = arith.constant 0 : i32
        %dma_wait3A_49 = tpu.memref_slice %arg7[%while3A_31, %dma_wait3A_48] : memref<97x128xi32, #tpu.memory_space<vmem>> -> memref<1x128xi32, #tpu.memory_space<vmem>>
        %dma_wait3A_50 = tpu.memref_squeeze %dma_wait3A_49 : memref<1x128xi32, #tpu.memory_space<vmem>> -> memref<128xi32, #tpu.memory_space<vmem>>
        %dma_wait3A_51 = arith.constant 0 : i32
        %dma_wait3A_52 = arith.constant 0 : i32
        %dma_wait3A_53 = tpu.memref_slice %arg9[%dma_wait3A_51, %dma_wait3A_52] : memref<10240x128xf32, #tpu.memory_space<vmem_shared>> -> memref<10240x128xf32, #tpu.memory_space<vmem_shared>>
        tpu.wait_indirect_dma semaphore(%run_scoped3A : memref<!tpu.dma_semaphore, #tpu.memory_space<semaphore_mem>>) src(%arg8 : memref<128x128xf32, #tpu.memory_space<vmem>>) dst(%dma_wait3A_53 : memref<10240x128xf32, #tpu.memory_space<vmem_shared>>)
        tpu.yield
      }) : () -> ()
    }
    %barrier3A_30 = arith.constant 0 : index
    tpu.barrier barrier_id(%barrier3A_30)
    "tpu.region"() ({
      %run_scoped3A = tpu.sem_alloc : memref<!tpu.dma_semaphore, #tpu.memory_space<semaphore_mem>>
      %dma_start3A = arith.constant 0 : i32
      %dma_start3A_31 = tpu.memref_slice %arg5[%arg0, %mul3A_10, %dma_start3A] : memref<2x10240x128xf32, #tpu.memory_space<hbm>> -> memref<1x640x128xf32, #tpu.memory_space<hbm>>
      %dma_start3A_32 = tpu.memref_squeeze %dma_start3A_31 : memref<1x640x128xf32, #tpu.memory_space<hbm>> -> memref<640x128xf32, #tpu.memory_space<hbm>>
      %dma_start3A_33 = arith.constant 0 : i32
      %dma_start3A_34 = tpu.memref_slice %arg9[%mul3A_10, %dma_start3A_33] : memref<10240x128xf32, #tpu.memory_space<vmem_shared>> -> memref<640x128xf32, #tpu.memory_space<vmem_shared>>
      tpu.enqueue_dma source(%dma_start3A_34 : memref<640x128xf32, #tpu.memory_space<vmem_shared>>) target(%dma_start3A_32 : memref<640x128xf32, #tpu.memory_space<hbm>>) target_semaphore(%run_scoped3A : memref<!tpu.dma_semaphore, #tpu.memory_space<semaphore_mem>>)
      %dma_wait3A = arith.constant 0 : i32
      %dma_wait3A_35 = tpu.memref_slice %arg5[%arg0, %mul3A_10, %dma_wait3A] : memref<2x10240x128xf32, #tpu.memory_space<hbm>> -> memref<1x640x128xf32, #tpu.memory_space<hbm>>
      %dma_wait3A_36 = tpu.memref_squeeze %dma_wait3A_35 : memref<1x640x128xf32, #tpu.memory_space<hbm>> -> memref<640x128xf32, #tpu.memory_space<hbm>>
      %dma_wait3A_37 = arith.constant 0 : i32
      %dma_wait3A_38 = tpu.memref_slice %arg9[%mul3A_10, %dma_wait3A_37] : memref<10240x128xf32, #tpu.memory_space<vmem_shared>> -> memref<640x128xf32, #tpu.memory_space<vmem_shared>>
      tpu.wait_dma2 semaphore(%run_scoped3A : memref<!tpu.dma_semaphore, #tpu.memory_space<semaphore_mem>>) src(%dma_wait3A_38 : memref<640x128xf32, #tpu.memory_space<vmem_shared>>) dst(%dma_wait3A_36 : memref<640x128xf32, #tpu.memory_space<hbm>>)
      tpu.yield
    }) : () -> ()
    return
  }
}

module attributes {stable_mosaic.version = 14 : i64} {
  func.func @_mlp_body(%arg0: i32, %arg1: memref<1000x128xf32, #tpu.memory_space<vmem>>, %arg2: memref<2x1000x128xf32, #tpu.memory_space<vmem>>, %arg3: memref<1x1x1000xi32, #tpu.memory_space<vmem>>, %arg4: memref<128x128xf32, #tpu.memory_space<vmem>>, %arg5: memref<1x128xf32, #tpu.memory_space<vmem>>, %arg6: memref<128x128xf32, #tpu.memory_space<vmem>>, %arg7: memref<1x128xf32, #tpu.memory_space<vmem>>, %arg8: memref<1000x128xf32, #tpu.memory_space<vmem>>, %arg9: memref<64x128xf32, #tpu.memory_space<vmem>>) attributes {dimension_semantics = [#tpu.dimension_semantics<arbitrary>], iteration_bounds = array<i64: 10>, scalar_prefetch = 0 : i64, scratch_operands = 0 : i64, tpu.core_type = #tpu.core_type<tc>, window_params = [{transform_indices = @transform_0, window_bounds = array<i64: 1000, 128>}, {transform_indices = @transform_1, window_bounds = array<i64: 2, 1000, 128>}, {transform_indices = @transform_2, window_bounds = array<i64: 1, 1, 1000>}, {pipeline_mode = #tpu.pipeline_mode<synchronous>, transform_indices = @transform_3, window_bounds = array<i64: 128, 128>}, {pipeline_mode = #tpu.pipeline_mode<synchronous>, transform_indices = @transform_4, window_bounds = array<i64: 1, 128>}, {pipeline_mode = #tpu.pipeline_mode<synchronous>, transform_indices = @transform_5, window_bounds = array<i64: 128, 128>}, {pipeline_mode = #tpu.pipeline_mode<synchronous>, transform_indices = @transform_6, window_bounds = array<i64: 1, 128>}, {transform_indices = @transform_7, window_bounds = array<i64: 1000, 128>}, {pipeline_mode = #tpu.pipeline_mode<synchronous>, transform_indices = @transform_8, window_bounds = array<i64: 64, 128>}]} {
    %get3A = arith.constant 0 : index
    %get3A_0 = arith.constant 0 : index
    %get3A_1 = vector.load %arg1[%get3A, %get3A_0] : memref<1000x128xf32, #tpu.memory_space<vmem>>, vector<1000x128xf32>
    %get3A_2 = arith.constant 0 : index
    %get3A_3 = arith.constant 0 : index
    %get3A_4 = arith.constant 0 : index
    %get3A_5 = vector.load %arg2[%get3A_2, %get3A_3, %get3A_4] : memref<2x1000x128xf32, #tpu.memory_space<vmem>>, vector<1x1000x128xf32>
    %get3A_6 = vector.shape_cast %get3A_5 : vector<1x1000x128xf32> to vector<1000x128xf32>
    %add3A = arith.addf %get3A_1, %get3A_6 : vector<1000x128xf32>
    %get3A_7 = arith.constant 1 : index
    %get3A_8 = arith.constant 0 : index
    %get3A_9 = arith.constant 0 : index
    %get3A_10 = vector.load %arg2[%get3A_7, %get3A_8, %get3A_9] : memref<2x1000x128xf32, #tpu.memory_space<vmem>>, vector<1x1000x128xf32>
    %get3A_11 = vector.shape_cast %get3A_10 : vector<1x1000x128xf32> to vector<1000x128xf32>
    %add3A_12 = arith.addf %add3A, %get3A_11 : vector<1000x128xf32>
    %get3A_13 = arith.constant 0 : index
    %get3A_14 = arith.constant 0 : index
    %get3A_15 = vector.load %arg4[%get3A_13, %get3A_14] : memref<128x128xf32, #tpu.memory_space<vmem>>, vector<128x128xf32>
    %dot_general3A = arith.constant dense<0.000000e+00> : vector<1000x128xf32>
    %dot_general3A_16 = tpu.matmul %add3A_12, %get3A_15, %dot_general3A {dimension_numbers = #tpu.dot_dimension_numbers<[1], [0], [0], [1], [0, 0, 1, 1], [], []>, transpose_lhs_hint = false} : vector<1000x128xf32>, vector<128x128xf32>, vector<1000x128xf32> -> vector<1000x128xf32>
    %get3A_17 = arith.constant 0 : index
    %get3A_18 = arith.constant 0 : index
    %get3A_19 = vector.load %arg5[%get3A_17, %get3A_18] : memref<1x128xf32, #tpu.memory_space<vmem>>, vector<1x128xf32>
    %add3A_20 = vector.broadcast %get3A_19 : vector<1x128xf32> to vector<1000x128xf32>
    %add3A_21 = arith.addf %dot_general3A_16, %add3A_20 : vector<1000x128xf32>
    %max3A = arith.constant 0.000000e+00 : f32
    %max3A_22 = vector.broadcast %max3A : f32 to vector<1000x128xf32>
    %max3A_23 = arith.maximumf %add3A_21, %max3A_22 : vector<1000x128xf32>
    %get3A_24 = arith.constant 0 : index
    %get3A_25 = arith.constant 0 : index
    %get3A_26 = vector.load %arg6[%get3A_24, %get3A_25] : memref<128x128xf32, #tpu.memory_space<vmem>>, vector<128x128xf32>
    %dot_general3A_27 = arith.constant dense<0.000000e+00> : vector<1000x128xf32>
    %dot_general3A_28 = tpu.matmul %max3A_23, %get3A_26, %dot_general3A_27 {dimension_numbers = #tpu.dot_dimension_numbers<[1], [0], [0], [1], [0, 0, 1, 1], [], []>, transpose_lhs_hint = false} : vector<1000x128xf32>, vector<128x128xf32>, vector<1000x128xf32> -> vector<1000x128xf32>
    %get3A_29 = arith.constant 0 : index
    %get3A_30 = arith.constant 0 : index
    %get3A_31 = vector.load %arg7[%get3A_29, %get3A_30] : memref<1x128xf32, #tpu.memory_space<vmem>>, vector<1x128xf32>
    %add3A_32 = vector.broadcast %get3A_31 : vector<1x128xf32> to vector<1000x128xf32>
    %add3A_33 = arith.addf %dot_general3A_28, %add3A_32 : vector<1000x128xf32>
    %max3A_34 = arith.constant 0.000000e+00 : f32
    %max3A_35 = vector.broadcast %max3A_34 : f32 to vector<1000x128xf32>
    %max3A_36 = arith.maximumf %add3A_33, %max3A_35 : vector<1000x128xf32>
    %swap3A = arith.constant 0 : index
    %swap3A_37 = arith.constant 0 : index
    %swap3A_38 = vector.load %arg8[%swap3A, %swap3A_37] : memref<1000x128xf32, #tpu.memory_space<vmem>>, vector<1000x128xf32>
    tpu.vector_store %arg8[%swap3A, %swap3A_37], %max3A_36 {strides = array<i32>} : memref<1000x128xf32, #tpu.memory_space<vmem>>, vector<1000x128xf32>,
    %get3A_39 = arith.constant 0 : index
    %get3A_40 = arith.constant 0 : index
    %get3A_41 = arith.constant 0 : index
    %get3A_42 = vector.load %arg3[%get3A_39, %get3A_40, %get3A_41] : memref<1x1x1000xi32, #tpu.memory_space<vmem>>, vector<1x1x1000xi32>
    %get3A_43 = vector.shape_cast %get3A_42 : vector<1x1x1000xi32> to vector<1000xi32>
    %iota3A = tpu.iota {dimensions = array<i32: 0>} : vector<64x1000xi32>
    %broadcast_in_dim3A = vector.shape_cast %get3A_43 : vector<1000xi32> to vector<1x1000xi32>
    %eq3A = vector.broadcast %broadcast_in_dim3A : vector<1x1000xi32> to vector<64x1000xi32>
    %eq3A_44 = arith.cmpi eq, %iota3A, %eq3A : vector<64x1000xi32>
    %convert_element_type3A = arith.extui %eq3A_44 : vector<64x1000xi1> to vector<64x1000xi32>
    %convert_element_type3A_45 = arith.sitofp %convert_element_type3A : vector<64x1000xi32> to vector<64x1000xf32>
    %dot_general3A_46 = arith.constant dense<0.000000e+00> : vector<64x128xf32>
    %dot_general3A_47 = tpu.matmul %convert_element_type3A_45, %max3A_36, %dot_general3A_46 {dimension_numbers = #tpu.dot_dimension_numbers<[1], [0], [0], [1], [0, 0, 1, 1], [], []>, transpose_lhs_hint = false} : vector<64x1000xf32>, vector<1000x128xf32>, vector<64x128xf32> -> vector<64x128xf32>
    %eq3A_48 = arith.constant 0 : i32
    %eq3A_49 = arith.cmpi eq, %arg0, %eq3A_48 : i32
    %convert_element_type3A_50 = arith.extui %eq3A_49 : i1 to i32
    %cond3A = arith.constant 0 : i32
    %cond3A_51 = arith.cmpi ne, %convert_element_type3A_50, %cond3A : i32
    scf.if %cond3A_51 {
      %broadcast_in_dim3A_59 = arith.constant 0.000000e+00 : f32
      %broadcast_in_dim3A_60 = vector.broadcast %broadcast_in_dim3A_59 : f32 to vector<64x128xf32>
      %swap3A_61 = arith.constant 0 : index
      %swap3A_62 = arith.constant 0 : index
      %swap3A_63 = vector.load %arg9[%swap3A_61, %swap3A_62] : memref<64x128xf32, #tpu.memory_space<vmem>>, vector<64x128xf32>
      tpu.vector_store %arg9[%swap3A_61, %swap3A_62], %broadcast_in_dim3A_60 {strides = array<i32>} : memref<64x128xf32, #tpu.memory_space<vmem>>, vector<64x128xf32>,
    } else {
    }
    %get3A_52 = arith.constant 0 : index
    %get3A_53 = arith.constant 0 : index
    %get3A_54 = vector.load %arg9[%get3A_52, %get3A_53] : memref<64x128xf32, #tpu.memory_space<vmem>>, vector<64x128xf32>
    %add3A_55 = arith.addf %get3A_54, %dot_general3A_47 : vector<64x128xf32>
    %swap3A_56 = arith.constant 0 : index
    %swap3A_57 = arith.constant 0 : index
    %swap3A_58 = vector.load %arg9[%swap3A_56, %swap3A_57] : memref<64x128xf32, #tpu.memory_space<vmem>>, vector<64x128xf32>
    tpu.vector_store %arg9[%swap3A_56, %swap3A_57], %add3A_55 {strides = array<i32>} : memref<64x128xf32, #tpu.memory_space<vmem>>, vector<64x128xf32>,
    return
  }
  func.func @transform_0(%arg0: i32) -> (i32, i32) {
    %c0_i32 = arith.constant 0 : i32
    %c0_i32_0 = arith.constant 0 : i32
    return %arg0, %c0_i32 : i32, i32
  }
  func.func @transform_1(%arg0: i32) -> (i32, i32, i32) {
    %c0_i32 = arith.constant 0 : i32
    %c0_i32_0 = arith.constant 0 : i32
    %c0_i32_1 = arith.constant 0 : i32
    return %c0_i32, %arg0, %c0_i32_0 : i32, i32, i32
  }
  func.func @transform_2(%arg0: i32) -> (i32, i32, i32) {
    %c0_i32 = arith.constant 0 : i32
    %c0_i32_0 = arith.constant 0 : i32
    %c0_i32_1 = arith.constant 0 : i32
    return %arg0, %c0_i32, %c0_i32_0 : i32, i32, i32
  }
  func.func @transform_3(%arg0: i32) -> (i32, i32) {
    %c0_i32 = arith.constant 0 : i32
    %c0_i32_0 = arith.constant 0 : i32
    %c0_i32_1 = arith.constant 0 : i32
    return %c0_i32, %c0_i32_0 : i32, i32
  }
  func.func @transform_4(%arg0: i32) -> (i32, i32) {
    %c0_i32 = arith.constant 0 : i32
    %c0_i32_0 = arith.constant 0 : i32
    %c0_i32_1 = arith.constant 0 : i32
    return %c0_i32, %c0_i32_0 : i32, i32
  }
  func.func @transform_5(%arg0: i32) -> (i32, i32) {
    %c0_i32 = arith.constant 0 : i32
    %c0_i32_0 = arith.constant 0 : i32
    %c0_i32_1 = arith.constant 0 : i32
    return %c0_i32, %c0_i32_0 : i32, i32
  }
  func.func @transform_6(%arg0: i32) -> (i32, i32) {
    %c0_i32 = arith.constant 0 : i32
    %c0_i32_0 = arith.constant 0 : i32
    %c0_i32_1 = arith.constant 0 : i32
    return %c0_i32, %c0_i32_0 : i32, i32
  }
  func.func @transform_7(%arg0: i32) -> (i32, i32) {
    %c0_i32 = arith.constant 0 : i32
    %c0_i32_0 = arith.constant 0 : i32
    return %arg0, %c0_i32 : i32, i32
  }
  func.func @transform_8(%arg0: i32) -> (i32, i32) {
    %c0_i32 = arith.constant 0 : i32
    %c0_i32_0 = arith.constant 0 : i32
    %c0_i32_1 = arith.constant 0 : i32
    return %c0_i32, %c0_i32_0 : i32, i32
  }
}

module attributes {stable_mosaic.version = 14 : i64} {
  func.func @_mlp_body(%arg0: i32, %arg1: memref<1000x128xf32, #tpu.memory_space<vmem>>, %arg2: memref<2x1000x128xf32, #tpu.memory_space<vmem>>, %arg3: memref<1x1x1000xi32, #tpu.memory_space<vmem>>, %arg4: memref<128x128xf32, #tpu.memory_space<vmem>>, %arg5: memref<1x128xf32, #tpu.memory_space<vmem>>, %arg6: memref<128x128xf32, #tpu.memory_space<vmem>>, %arg7: memref<1x128xf32, #tpu.memory_space<vmem>>, %arg8: memref<1000x128xf32, #tpu.memory_space<vmem>>, %arg9: memref<64x128xf32, #tpu.memory_space<vmem>>) attributes {dimension_semantics = [#tpu.dimension_semantics<arbitrary>], iteration_bounds = array<i64: 10>, scalar_prefetch = 0 : i64, scratch_operands = 0 : i64, tpu.core_type = #tpu.core_type<tc>, window_params = [{transform_indices = @transform_0, window_bounds = array<i64: 1000, 128>}, {transform_indices = @transform_1, window_bounds = array<i64: 2, 1000, 128>}, {transform_indices = @transform_2, window_bounds = array<i64: 1, 1, 1000>}, {pipeline_mode = #tpu.pipeline_mode<synchronous>, transform_indices = @transform_3, window_bounds = array<i64: 128, 128>}, {pipeline_mode = #tpu.pipeline_mode<synchronous>, transform_indices = @transform_4, window_bounds = array<i64: 1, 128>}, {pipeline_mode = #tpu.pipeline_mode<synchronous>, transform_indices = @transform_5, window_bounds = array<i64: 128, 128>}, {pipeline_mode = #tpu.pipeline_mode<synchronous>, transform_indices = @transform_6, window_bounds = array<i64: 1, 128>}, {transform_indices = @transform_7, window_bounds = array<i64: 1000, 128>}, {pipeline_mode = #tpu.pipeline_mode<synchronous>, transform_indices = @transform_8, window_bounds = array<i64: 64, 128>}]} {
    %get3A = arith.constant 0 : index
    %get3A_0 = arith.constant 0 : index
    %get3A_1 = vector.load %arg1[%get3A, %get3A_0] : memref<1000x128xf32, #tpu.memory_space<vmem>>, vector<1000x128xf32>
    %get3A_2 = arith.constant 0 : index
    %get3A_3 = arith.constant 0 : index
    %get3A_4 = arith.constant 0 : index
    %get3A_5 = vector.load %arg2[%get3A_2, %get3A_3, %get3A_4] : memref<2x1000x128xf32, #tpu.memory_space<vmem>>, vector<1x1000x128xf32>
    %get3A_6 = vector.shape_cast %get3A_5 : vector<1x1000x128xf32> to vector<1000x128xf32>
    %add3A = arith.addf %get3A_1, %get3A_6 : vector<1000x128xf32>
    %get3A_7 = arith.constant 1 : index
    %get3A_8 = arith.constant 0 : index
    %get3A_9 = arith.constant 0 : index
    %get3A_10 = vector.load %arg2[%get3A_7, %get3A_8, %get3A_9] : memref<2x1000x128xf32, #tpu.memory_space<vmem>>, vector<1x1000x128xf32>
    %get3A_11 = vector.shape_cast %get3A_10 : vector<1x1000x128xf32> to vector<1000x128xf32>
    %add3A_12 = arith.addf %add3A, %get3A_11 : vector<1000x128xf32>
    %get3A_13 = arith.constant 0 : index
    %get3A_14 = arith.constant 0 : index
    %get3A_15 = vector.load %arg4[%get3A_13, %get3A_14] : memref<128x128xf32, #tpu.memory_space<vmem>>, vector<128x128xf32>
    %dot_general3A = arith.constant dense<0.000000e+00> : vector<1000x128xf32>
    %dot_general3A_16 = tpu.matmul %add3A_12, %get3A_15, %dot_general3A {dimension_numbers = #tpu.dot_dimension_numbers<[1], [0], [0], [1], [0, 0, 1, 1], [], []>, transpose_lhs_hint = false} : vector<1000x128xf32>, vector<128x128xf32>, vector<1000x128xf32> -> vector<1000x128xf32>
    %get3A_17 = arith.constant 0 : index
    %get3A_18 = arith.constant 0 : index
    %get3A_19 = vector.load %arg5[%get3A_17, %get3A_18] : memref<1x128xf32, #tpu.memory_space<vmem>>, vector<1x128xf32>
    %add3A_20 = vector.broadcast %get3A_19 : vector<1x128xf32> to vector<1000x128xf32>
    %add3A_21 = arith.addf %dot_general3A_16, %add3A_20 : vector<1000x128xf32>
    %max3A = arith.constant 0.000000e+00 : f32
    %max3A_22 = vector.broadcast %max3A : f32 to vector<1000x128xf32>
    %max3A_23 = arith.maximumf %add3A_21, %max3A_22 : vector<1000x128xf32>
    %get3A_24 = arith.constant 0 : index
    %get3A_25 = arith.constant 0 : index
    %get3A_26 = vector.load %arg6[%get3A_24, %get3A_25] : memref<128x128xf32, #tpu.memory_space<vmem>>, vector<128x128xf32>
    %dot_general3A_27 = arith.constant dense<0.000000e+00> : vector<1000x128xf32>
    %dot_general3A_28 = tpu.matmul %max3A_23, %get3A_26, %dot_general3A_27 {dimension_numbers = #tpu.dot_dimension_numbers<[1], [0], [0], [1], [0, 0, 1, 1], [], []>, transpose_lhs_hint = false} : vector<1000x128xf32>, vector<128x128xf32>, vector<1000x128xf32> -> vector<1000x128xf32>
    %get3A_29 = arith.constant 0 : index
    %get3A_30 = arith.constant 0 : index
    %get3A_31 = vector.load %arg7[%get3A_29, %get3A_30] : memref<1x128xf32, #tpu.memory_space<vmem>>, vector<1x128xf32>
    %add3A_32 = vector.broadcast %get3A_31 : vector<1x128xf32> to vector<1000x128xf32>
    %add3A_33 = arith.addf %dot_general3A_28, %add3A_32 : vector<1000x128xf32>
    %swap3A = arith.constant 0 : index
    %swap3A_34 = arith.constant 0 : index
    %swap3A_35 = vector.load %arg8[%swap3A, %swap3A_34] : memref<1000x128xf32, #tpu.memory_space<vmem>>, vector<1000x128xf32>
    tpu.vector_store %arg8[%swap3A, %swap3A_34], %add3A_33 {strides = array<i32>} : memref<1000x128xf32, #tpu.memory_space<vmem>>, vector<1000x128xf32>,
    %get3A_36 = arith.constant 0 : index
    %get3A_37 = arith.constant 0 : index
    %get3A_38 = arith.constant 0 : index
    %get3A_39 = vector.load %arg3[%get3A_36, %get3A_37, %get3A_38] : memref<1x1x1000xi32, #tpu.memory_space<vmem>>, vector<1x1x1000xi32>
    %get3A_40 = vector.shape_cast %get3A_39 : vector<1x1x1000xi32> to vector<1000xi32>
    %iota3A = tpu.iota {dimensions = array<i32: 0>} : vector<64x1000xi32>
    %broadcast_in_dim3A = vector.shape_cast %get3A_40 : vector<1000xi32> to vector<1x1000xi32>
    %eq3A = vector.broadcast %broadcast_in_dim3A : vector<1x1000xi32> to vector<64x1000xi32>
    %eq3A_41 = arith.cmpi eq, %iota3A, %eq3A : vector<64x1000xi32>
    %convert_element_type3A = arith.extui %eq3A_41 : vector<64x1000xi1> to vector<64x1000xi32>
    %convert_element_type3A_42 = arith.sitofp %convert_element_type3A : vector<64x1000xi32> to vector<64x1000xf32>
    %dot_general3A_43 = arith.constant dense<0.000000e+00> : vector<64x128xf32>
    %dot_general3A_44 = tpu.matmul %convert_element_type3A_42, %add3A_33, %dot_general3A_43 {dimension_numbers = #tpu.dot_dimension_numbers<[1], [0], [0], [1], [0, 0, 1, 1], [], []>, transpose_lhs_hint = false} : vector<64x1000xf32>, vector<1000x128xf32>, vector<64x128xf32> -> vector<64x128xf32>
    %eq3A_45 = arith.constant 0 : i32
    %eq3A_46 = arith.cmpi eq, %arg0, %eq3A_45 : i32
    %convert_element_type3A_47 = arith.extui %eq3A_46 : i1 to i32
    %cond3A = arith.constant 0 : i32
    %cond3A_48 = arith.cmpi ne, %convert_element_type3A_47, %cond3A : i32
    scf.if %cond3A_48 {
      %broadcast_in_dim3A_56 = arith.constant 0.000000e+00 : f32
      %broadcast_in_dim3A_57 = vector.broadcast %broadcast_in_dim3A_56 : f32 to vector<64x128xf32>
      %swap3A_58 = arith.constant 0 : index
      %swap3A_59 = arith.constant 0 : index
      %swap3A_60 = vector.load %arg9[%swap3A_58, %swap3A_59] : memref<64x128xf32, #tpu.memory_space<vmem>>, vector<64x128xf32>
      tpu.vector_store %arg9[%swap3A_58, %swap3A_59], %broadcast_in_dim3A_57 {strides = array<i32>} : memref<64x128xf32, #tpu.memory_space<vmem>>, vector<64x128xf32>,
    } else {
    }
    %get3A_49 = arith.constant 0 : index
    %get3A_50 = arith.constant 0 : index
    %get3A_51 = vector.load %arg9[%get3A_49, %get3A_50] : memref<64x128xf32, #tpu.memory_space<vmem>>, vector<64x128xf32>
    %add3A_52 = arith.addf %get3A_51, %dot_general3A_44 : vector<64x128xf32>
    %swap3A_53 = arith.constant 0 : index
    %swap3A_54 = arith.constant 0 : index
    %swap3A_55 = vector.load %arg9[%swap3A_53, %swap3A_54] : memref<64x128xf32, #tpu.memory_space<vmem>>, vector<64x128xf32>
    tpu.vector_store %arg9[%swap3A_53, %swap3A_54], %add3A_52 {strides = array<i32>} : memref<64x128xf32, #tpu.memory_space<vmem>>, vector<64x128xf32>,
    return
  }
  func.func @transform_0(%arg0: i32) -> (i32, i32) {
    %c0_i32 = arith.constant 0 : i32
    %c0_i32_0 = arith.constant 0 : i32
    return %arg0, %c0_i32 : i32, i32
  }
  func.func @transform_1(%arg0: i32) -> (i32, i32, i32) {
    %c0_i32 = arith.constant 0 : i32
    %c0_i32_0 = arith.constant 0 : i32
    %c0_i32_1 = arith.constant 0 : i32
    return %c0_i32, %arg0, %c0_i32_0 : i32, i32, i32
  }
  func.func @transform_2(%arg0: i32) -> (i32, i32, i32) {
    %c0_i32 = arith.constant 0 : i32
    %c0_i32_0 = arith.constant 0 : i32
    %c0_i32_1 = arith.constant 0 : i32
    return %arg0, %c0_i32, %c0_i32_0 : i32, i32, i32
  }
  func.func @transform_3(%arg0: i32) -> (i32, i32) {
    %c0_i32 = arith.constant 0 : i32
    %c0_i32_0 = arith.constant 0 : i32
    %c0_i32_1 = arith.constant 0 : i32
    return %c0_i32, %c0_i32_0 : i32, i32
  }
  func.func @transform_4(%arg0: i32) -> (i32, i32) {
    %c0_i32 = arith.constant 0 : i32
    %c0_i32_0 = arith.constant 0 : i32
    %c0_i32_1 = arith.constant 0 : i32
    return %c0_i32, %c0_i32_0 : i32, i32
  }
  func.func @transform_5(%arg0: i32) -> (i32, i32) {
    %c0_i32 = arith.constant 0 : i32
    %c0_i32_0 = arith.constant 0 : i32
    %c0_i32_1 = arith.constant 0 : i32
    return %c0_i32, %c0_i32_0 : i32, i32
  }
  func.func @transform_6(%arg0: i32) -> (i32, i32) {
    %c0_i32 = arith.constant 0 : i32
    %c0_i32_0 = arith.constant 0 : i32
    %c0_i32_1 = arith.constant 0 : i32
    return %c0_i32, %c0_i32_0 : i32, i32
  }
  func.func @transform_7(%arg0: i32) -> (i32, i32) {
    %c0_i32 = arith.constant 0 : i32
    %c0_i32_0 = arith.constant 0 : i32
    return %arg0, %c0_i32 : i32, i32
  }
  func.func @transform_8(%arg0: i32) -> (i32, i32) {
    %c0_i32 = arith.constant 0 : i32
    %c0_i32_0 = arith.constant 0 : i32
    %c0_i32_1 = arith.constant 0 : i32
    return %c0_i32, %c0_i32_0 : i32, i32
  }
}

</mosaic_0001>

<sc_bundles>
// kernel: kernel.11.cloned.1.call-start
scs
__scs_entry_jumppad:
0x0: {  	(pc) =	sbr.rel $0x88, $3  }
0x1: {  	(tag) =	ssettag $0x0;
	lr =	simm.s32 $0x1  }
0x2: {  	[smem:$0x3F8C] =	sst lr;
	_ =	strace $0xD0000000  }
0x3: {  	_ = 	snop  }
0x4: {  	_ = 	snop  }
0x5: {  	_ = 	snop  }
0x6: {  	_ = 	snop  }
0x7: {  	_ = 	snop  }
__scs_overlays_trampoline_lowered:
0x8: {  	[smem:$0x3F9B] =	sst s0  }
0x9: {  	[smem:$0x3F9C] =	sst s1  }
0xa: {  	[smem:$0x3F9D] =	sst s2  }
0xb: {  	[smem:$0x3F9E] =	sst s3  }
0xc: {  	[smem:$0x3F9F] =	sst s4  }
0xd: {  	[smem:$0x3FA0] =	sst s5  }
0xe: {  	[smem:$0x3FA1] =	sst s6  }
0xf: {  	[smem:$0x3FA2] =	sst s7  }
0x10: {  	[smem:$0x3FA3] =	sst s8  }
0x11: {  	[smem:$0x3FA4] =	sst s9;
	s0 =	simm.s32 @!p0 $0x0  }
0x12: {  	s1 =	sld [smem:$0x3F8A];
	s0 =	simm.s32 @p0 $0x1  }
0x13: {  	[smem:$0x3FA5] =	sst s0;
	s0 =	simm.s32 @!p1 $0x0  }
0x14: {  	s2 =	sld [smem:$0x3F89];
	s0 =	simm.s32 @p1 $0x1  }
0x15: {  	[smem:$0x3FA6] =	sst s0;
	s0 =	simm.s32 @!p2 $0x0  }
0x16: {  	s3 =	sld [smem:$0x3FDB];
	s0 =	simm.s32 @p2 $0x1  }
0x17: {  	s4 =	simm.s32 $0x1BF5;
	[smem:$0x3FA8] =	sst s0  }
0x18: {  	s0 =	sld [smem:$0x3F8B];
	_ =	swait.ge [sflag:s4], $0x0  }
0x19: {  	s7 =	sld [smem:$0x3F8C]  }
0x1a: {  	s8 =	sadd.s32 $0xFFFFE003, lr  }
0x1b: {  	s9 =	sadd.s32 $0xFFFFFEF7, lr;
	s5 =	simm.s32 $0xFFFFFFFF;
	p2 =	slt.u32 s8, $0xFFFFF086  }
0x1c: {  	p1 =	slt.u32 s9, $0xF7A;
	s5 =	simm.s32 @!p2 $0x0  }
0x1d: {  	s5 =	simm.s32 @p1 $0x1;
	p0 =	seq.s32 s7, s2  }
0x1e: {  	s7 =	smul.u32 @!p0 $0xF7A, s2;
	p2 =	seq.s32 @!p0 s5, $0x0  }
0x1f: {  	s9 =	smul.u32 $0xF7A, s1;
	s8 =	simm.s32 @!p0 $0x1BF5;
	p2 =	por !p2, p0  }
0x20: {  	[sflag:s8] =	ssyncset.s32 @!p0 $0xFFFFF086;
	s6 =	sadd.s32 @!p0 s3, s7;
	s7 =	simm.s32 @!p0 $0x108  }
0x21: {  	s3 =	sadd.s32 s3, s9;
	s6 =	sadd.s32 @!p0 $0x88, s6;
	s7 =	simm.s32 @p2 $0x1082  }
0x22: {  	[simem:s7], [sflag:s8] =	dma.local @!p0 [hbm:s6], $0xF7A  }
0x23: {  	s9 =	sor.u32 $0xD0000000, s2;
	s6 =	simm.s32 $0x108;
	_ =	swait.ge @!p0 [sflag:s8], $0x0  }
0x24: {  	s3 =	sadd.s32 $0x88, s3;
	s6 =	simm.s32 @!p1 $0x1082;
	[sflag:s4] =	ssyncset.s32 $0xFFFFF086  }
0x25: {  	[simem:s6], [sflag:s4] =	dma.local [hbm:s3], $0xF7A  }
0x26: {  	[smem:$0x3F8C] =	sst s1;
	(tag) =	ssettag s2;
	_ =	strace s9  }
0x27: {  	s1 =	sld [smem:$0x3F9C]  }
0x28: {  	s2 =	sld [smem:$0x3F9D]  }
0x29: {  	s4 =	sld [smem:$0x3F9F]  }
0x2a: {  	p0 =	seq.s32 s5, $0x0;
	s5 =	sld [smem:$0x3FA0]  }
0x2b: {  	s6 =	sld [smem:$0x3FA1]  }
0x2c: {  	s7 =	sld [smem:$0x3FA2]  }
0x2d: {  	s3 =	simm.s32 $0x108;
	s8 =	sld [smem:$0x3FA3]  }
0x2e: {  	s3 =	simm.s32 @!p0 $0x1082;
	s9 =	sld [smem:$0x3FA4]  }
0x2f: {  	lr =	sadd.s32 s0, s3;
	s0 =	sld [smem:$0x3F9B]  }
0x30: {  	s3 =	sld [smem:$0x3F9E]  }
0x31: {  	[smem:$0x3FA7] =	sst s10  }
0x32: {  	s10 =	sld [smem:$0x3FA5];
	_ =	sdelay $0x3  }
0x33: {  	p0 =	seq.s32 s10, $0x1;
	s10 =	sld [smem:$0x3FA7];
	_ =	sdelay $0x3  }
0x34: {  	[smem:$0x3FA7] =	sst s10  }
0x35: {  	s10 =	sld [smem:$0x3FA6];
	_ =	sdelay $0x3  }
0x36: {  	p1 =	seq.s32 s10, $0x1;
	s10 =	sld [smem:$0x3FA7];
	_ =	sdelay $0x3  }
0x37: {  	[smem:$0x3FA7] =	sst s10  }
0x38: {  	s10 =	sld [smem:$0x3FA8]  }
0x39: {  	_ = 	snop;
	(pc) =	sbr.ind lr, $3  }
0x3a: {  	_ = 	snop  }
0x3b: {  	_ = 	snop  }
0x3c: {  	p2 =	seq.s32 s10, $0x1;
	s10 =	sld [smem:$0x3FA7]  }
0x3d: {  	_ =	shalt  }
0x3e: {  	_ =	shalt  }
0x3f: {  	_ =	shalt  }
0x40: {  	_ =	shalt  }
0x41: {  	_ =	shalt  }
0x42: {  	_ =	shalt  }
0x43: {  	_ =	shalt  }
0x44: {  	_ =	shalt  }
0x45: {  	_ =	shalt  }
0x46: {  	_ =	shalt  }
0x47: {  	_ =	shalt  }
0x48: {  	_ =	shalt  }
0x49: {  	_ =	shalt  }
0x4a: {  	_ =	shalt  }
0x4b: {  	_ =	shalt  }
0x4c: {  	_ =	shalt  }
0x4d: {  	_ =	shalt  }
0x4e: {  	_ =	shalt  }
0x4f: {  	_ =	shalt  }
0x50: {  	_ =	shalt  }
0x51: {  	_ =	shalt  }
0x52: {  	_ =	shalt  }
0x53: {  	_ =	shalt  }
0x54: {  	_ =	shalt  }
0x55: {  	_ =	shalt  }
0x56: {  	_ =	shalt  }
0x57: {  	_ =	shalt  }
0x58: {  	_ =	shalt  }
0x59: {  	_ =	shalt  }
0x5a: {  	_ =	shalt  }
0x5b: {  	_ =	shalt  }
0x5c: {  	_ =	shalt  }
0x5d: {  	_ =	shalt  }
0x5e: {  	_ =	shalt  }
0x5f: {  	_ =	shalt  }
0x60: {  	_ =	shalt  }
0x61: {  	_ =	shalt  }
0x62: {  	_ =	shalt  }
0x63: {  	_ =	shalt  }
0x64: {  	_ =	shalt  }
0x65: {  	_ =	shalt  }
0x66: {  	_ =	shalt  }
0x67: {  	_ =	shalt  }
0x68: {  	_ =	shalt  }
0x69: {  	_ =	shalt  }
0x6a: {  	_ =	shalt  }
0x6b: {  	_ =	shalt  }
0x6c: {  	_ =	shalt  }
0x6d: {  	_ =	shalt  }
0x6e: {  	_ =	shalt  }
0x6f: {  	_ =	shalt  }
0x70: {  	_ =	shalt  }
0x71: {  	_ =	shalt  }
0x72: {  	_ =	shalt  }
0x73: {  	_ =	shalt  }
0x74: {  	_ =	shalt  }
0x75: {  	_ =	shalt  }
0x76: {  	_ =	shalt  }
0x77: {  	_ =	shalt  }
0x78: {  	_ =	shalt  }
0x79: {  	_ =	shalt  }
0x7a: {  	_ =	shalt  }
0x7b: {  	_ =	shalt  }
0x7c: {  	_ =	shalt  }
0x7d: {  	_ =	shalt  }
0x7e: {  	_ =	shalt  }
0x7f: {  	_ =	shalt  }
0x80: {  	_ =	shalt  }
0x81: {  	_ =	shalt  }
0x82: {  	_ =	shalt  }
0x83: {  	_ =	shalt  }
0x84: {  	_ =	shalt  }
0x85: {  	_ =	shalt  }
0x86: {  	_ =	shalt  }
0x87: {  	_ =	shalt  }
.Lfunc_end0:
.L_simem_size_0:
called_computation.1_lowered:
.L_overlay_start_0:
0x88: {  	s2 =	sld [smem:$0x3FD9]  }
0x89: {  	s3 =	sld [smem:$0x3FFE];
	_ =	sdelay $0x1  }
0x8a: {  	s1 =	srdreg.scid  }
0x8b: {  	s0 =	sand.u32 $0x1, s1  }
0x8c: {  	s14 =	sshll.u32 s0, $0xA;
	s2 =	sadd.s32 s3, s2  }
0x8d: {  	s2 =	sadd.s32 s2, s14  }
0x8e: {  	[smem:$0x3FB3] =	sst s2  }
0x8f: {  	_ = 	snop  }
0x90: {  	s2 =	sld [smem:$0x3FD0];
	_ =	sdelay $0x2  }
0x91: {  	s15 =	simm.s32 $0xA;
	s4 =	simm.s32 $0x10  }
0x92: {  	[smem:s4], [sflag:s15] =	dma.local [hbm:s2], $0x1  }
0x93: {  	_ =	swait.eq [sflag:s15], $0x1  }
0x94: {  	[sflag:s15] =	ssyncset.done $0x0  }
0x95: {  	[sflag:s15] =	ssyncadd.s32 $0xFFFFFFFF  }
0x96: {  	s16 =	sld [smem:$0x10];
	(tm) =	ssettm $0x1  }
0x97: {  	s17 =	sld [smem:$0x3FFB];
	_ =	sdelay $0x3  }
0x98: {  	_ =	strace s17  }
0x99: {  	s3 =	sld [smem:$0x3FFC];
	_ =	sdelay $0x3  }
0x9a: {  	_ =	strace s3  }
0x9b: {  	s3 =	sld [smem:$0x3FFD];
	_ =	sdelay $0x3  }
0x9c: {  	_ =	strace s3  }
0x9d: {  	_ =	strace $0x8FFFFFFF  }
0x9e: {  	s18 =	sld [smem:$0x3FDB];
	_ =	sdelay $0x1  }
0x9f: {  	s19 =	simm.s32 $_scs_section_size  }
0xa0: {  	s5 =	simm.s32 $_size__tile_overlayer_lowered;
	s6 =	simm.s32 $_tile_overlayer_lowered  }
0xa1: {  	s22 =	simm.s32 $0x1BFF;
	s21 =	sshll.u32 s6, $0x1;
	s3 =	sadd.s32 s19, s18  }
0xa2: {  	s7 =	simm.s32 $0x0;
	s20 =	sshll.u32 s5, $0x1;
	s5 =	sadd.s32 s21, s3  }
0xa3: {  	[timem:s7], [sflag:s22] =	dma.local [hbm:s5], s20  }
0xa4: {  	_ =	swait.ge [sflag:s22], s20  }
0xa5: {  	s4 =	ssub.s32 $0x0, s20;
	[sflag:s22] =	ssyncset.done $0x0  }
0xa6: {  	[sflag:s22] =	ssyncadd.s32 s4;
	_ =	sdelay $0x1  }
0xa7: {  	s23 =	simm.s32 $0x1B8B  }
0xa8: {  	_ =	swait.ge [sflag:s23], $0x1  }
0xa9: {  	[sflag:s23] =	ssyncset.done $0x0  }
0xaa: {  	s25 =	simm.s32 $0x1B8E;
	s24 =	sld [smem:$0x3FFE];
	[sflag:s23] =	ssyncadd.s32 $0xFFFFFFFF  }
0xab: {  	s26 =	simm.s32 $execute0_lowered;
	[smem:$0x3FD2] =	sst s25  }
0xac: {  	s5 =	sshll.u32 s26, $0x1;
	_ =	strace $0x80000049;
	[dreg:$0x1] =	wrdreg $0xFFFFFFFF  }
0xad: {  	s28 =	simm.s32 $_size_execute0_lowered;
	s3 =	sadd.s32 s3, s5;
	[dreg:$0x0] =	wrdreg $0x0  }
0xae: {  	s5 =	sshll.u32 s28, $0x1;
	[dreg:$0x2] =	wrdreg s3  }
0xaf: {  	[dreg:$0x3] =	wrdreg s5  }
0xb0: {  	[dreg:$0x4] =	wrdreg $0xC0  }
0xb1: {  	_ =	task [dreg:s7], $0x5FFFF  }
0xb2: {  	[dreg:$0x1] =	wrdreg $0xFFFFFFFF  }
0xb3: {  	[dreg:$0x0] =	wrdreg $0x60  }
0xb4: {  	[dreg:$0x2] =	wrdreg s24  }
0xb5: {  	[dreg:$0x3] =	wrdreg s16  }
0xb6: {  	[dreg:$0x4] =	wrdreg $0xA8000  }
0xb7: {  	[dreg:$0x5] =	wrdreg $0x9  }
0xb8: {  	_ =	task.clear_ibuf [dreg:s7], $0x6FFFF;
	_ =	strace $0x90000049  }
0xb9: {  	s29 =	simm.s32 $0x9;
	_ =	strace $0x8000004B  }
0xba: {  	_ =	swait.ge [sflag:s29], $0x1  }
0xbb: {  	[sflag:s29] =	ssyncadd.s32 $0xFFFFFFFF  }
0xbc: {  	_ =	strace $0x9000004B  }
0xbd: {  	_ =	sfence  }
0xbe: {  	s30 =	sld [smem:$0x0];
	_ =	sdelay $0x2  }
0xbf: {  	s31 =	sshll.u32 s1, $0xD;
	s1 =	sshrl.u32 s1, $0x2  }
0xc0: {  	s3 =	sand.u32 $0x4000, s31;
	s1 =	sadd.s32 s1, s30  }
0xc1: {  	s0 =	sor.u32 s3, s0;
	s1 =	sshll.u32 s1, $0x11  }
0xc2: {  	s0 =	sor.u32 s1, s0  }
0xc3: {  	s0 =	sadd.s32 $0x8F2B, s0  }
0xc4: {  	[sflag:s0] =	ssyncadd.remote.s32 $0x1  }
0xc5: {  	_ =	sfence.sel $0xFFFF  }
0xc6: {  	[dreg:$0x0] =	wrdreg $0xFFFFFFFF;
	(pc) =	sbr.abs _section_cstart, $3  }
0xc7: {  	[dreg:$0x1] =	wrdreg $0xFFFFFFFF  }
0xc8: {  	_ =	task.clear_ibuf [dreg:s7], $0x2FFFF;
	_ =	strace $0x9FFFFFFF  }
0xc9: {  	(tm) =	ssettm $0x7FFFFFFF  }
tec
execute0_lowered:
.L_overlay_start_1:
0x0: {  	(tag) =	ssettag $0x1  }
0x1: {  	s5 =	rddreg [dreg:$0x0]  }
0x2: {  	s13 =	rddreg [dreg:$0x1]  }
0x3: {  	s0 =	srdreg.scid;
	s2 =	rddreg [dreg:$0x2]  }
0x4: {  	s1 =	stileid.u32;
	s3 =	simm.s32 $0x0;
	s16 =	simm.s32 $0x2  }
0x5: {  	s17 =	simm.s32 $0x80;
	s6 =	sand.u32 $0x1, s0;
	s0 =	rddreg [dreg:$0x3]  }
0x6: {  	s18 =	simm.s32 $0x1;
	[smem:$0x7FF] =	sst s3;
	s10 =	smul.u32 $0x50000, s1  }
0x7: {  	s15 =	smul.u32 $0x14000, s1;
	s19 =	sshll.u32 s1, $0x6;
	s4 =	sshll.u32 s6, $0x4  }
0x8: {  	s8 =	ssub.s32 $0x2, s6;
	_ =	strace $0x8000004A;
	p0 =	seq.s32 s6, $0x0  }
0x9: {  	s11 =	smul.u32 $0x140000, s6;
	s19 =	sor.u32 $0x1C02, s19;
	s4 =	sor.u32 s1, s4  }
0xa: {  	s9 =	sshrl.u32 s8, $0x1;
	s31 =	sshrl.u32 s10, $0x2;
	s7 =	smul.u32 $0x680, s4  }
0xb: {  	s4 =	sadd.s32 $0x1FE00, s5;
	s14 =	ssub.s32 s8, s9;
	s6 =	sadd.s32 s31, s2  }
0xc: {  	s15 =	sadd.s32 s15, s11;
	s8 =	sadd.s32 $0x8000, s6;
	s9 =	sadd.s32 $0xC000, s6  }
0xd: {  	s10 =	sadd.s32 $0x10000, s6;
	s15 =	sshrl.u32 s15, $0x3;
	s14 =	smax.u32 s14, $0x1  }
0xe: {  	s20 =	sshrl.u32 s6, $0x3;
	s12 =	sadd.s32 s7, s5;
	s5 =	simm.s32 $0x61  }
0xf: {  	s7 =	sadd.s32 $0x4000, s6;
	s13 =	sadd.s32 s13, s15;
	s15 =	simm.s32 $0x6800  }
0x10: {  	v0 =	vimm.f32 $0.0e+00;
	s5 =	simm.s32 @!p0 $0x3C;
	s11 =	sadd.s32 $0x12E00, s12;
	s12 =	sadd.s32 $0x5E00, s12  }
.LBB2_1:
0x11: {  	s21 =	simm.s32 $0x0;
	s22 =	simm.s32 $0x200  }
.LBB2_2:
0x12: {  	p0 =	sne.s32 s22, $0xFE00;
	[tilespmem:s21+$0x6870] =	vst v0  }
0x13: {  	[tilespmem:s21+$0x6800] =	vst v0  }
0x14: {  	[tilespmem:s21+$0x6810] =	vst v0  }
.Ltmp0:
0x15: {  	[tilespmem:s21+$0x6820] =	vst v0;
	(pc) =	sbr.rel @p0 .LBB2_2-.Ltmp0, $4  }
0x16: {  	[tilespmem:s21+$0x6830] =	vst v0  }
0x17: {  	[tilespmem:s21+$0x6840] =	vst v0  }
0x18: {  	[tilespmem:s21+$0x6850] =	vst v0  }
0x19: {  	[tilespmem:s21+$0x6860] =	vst v0;
	s21 =	sshra.s32 s22, $0x2;
	s22 =	sadd.s32 $0x200, s22  }
0x1a: {  	[tilespmem:s21+$0x6870] =	vst v0  }
0x1b: {  	[tilespmem:s21+$0x6800] =	vst v0  }
0x1c: {  	[tilespmem:s21+$0x6810] =	vst v0  }
0x1d: {  	[tilespmem:s21+$0x6820] =	vst v0  }
0x1e: {  	[tilespmem:s21+$0x6830] =	vst v0  }
0x1f: {  	[tilespmem:s21+$0x6840] =	vst v0  }
0x20: {  	[tilespmem:s21+$0x6850] =	vst v0  }
0x21: {  	[tilespmem:s21+$0x6860] =	vst v0  }
0x22: {  	[spmem:s6] =	stream.linear.scatter [tilespmem:s15], [sflag:$0x2], $0x4000, $0x38;
	[tilespmem:$0x1E800] =	vst v63  }
0x23: {  	_ =	swait.ge [sflag:s16], $0x4000  }
0x24: {  	[sflag:s16] =	ssyncset.done $0x0  }
0x25: {  	[sflag:s16] =	ssyncadd.s32 $0xFFFFC000  }
0x26: {  	[spmem:s7] =	stream.linear.scatter [tilespmem:s15], [sflag:$0x2], $0x4000, $0x38;
	[tilespmem:$0x1E800] =	vst v63  }
0x27: {  	_ =	swait.ge [sflag:s16], $0x4000  }
0x28: {  	[sflag:s16] =	ssyncset.done $0x0  }
0x29: {  	[sflag:s16] =	ssyncadd.s32 $0xFFFFC000  }
0x2a: {  	[spmem:s8] =	stream.linear.scatter [tilespmem:s15], [sflag:$0x2], $0x4000, $0x38;
	[tilespmem:$0x1E800] =	vst v63  }
0x2b: {  	_ =	swait.ge [sflag:s16], $0x4000  }
0x2c: {  	[sflag:s16] =	ssyncset.done $0x0  }
0x2d: {  	[sflag:s16] =	ssyncadd.s32 $0xFFFFC000  }
0x2e: {  	[spmem:s9] =	stream.linear.scatter [tilespmem:s15], [sflag:$0x2], $0x4000, $0x38;
	[tilespmem:$0x1E800] =	vst v63  }
0x2f: {  	_ =	swait.ge [sflag:s16], $0x4000  }
0x30: {  	[sflag:s16] =	ssyncset.done $0x0  }
0x31: {  	[sflag:s16] =	ssyncadd.s32 $0xFFFFC000  }
0x32: {  	[spmem:s10] =	stream.linear.scatter [tilespmem:s15], [sflag:$0x2], $0x4000, $0x38;
	[tilespmem:$0x1E800] =	vst v63  }
0x33: {  	_ =	swait.ge [sflag:s16], $0x4000  }
0x34: {  	[sflag:s16] =	ssyncset.done $0x0  }
0x35: {  	[sflag:s16] =	ssyncadd.s32 $0xFFFFC000  }
0x36: {  	s21 =	simm.s32 $0x0;
	[bflag:$0x0] =	sbarrier.arrive $0xFFFF  }
0x37: {  	[tilespmem:s21], [sflag:$0x2] =	stream.linear.gather [hbm4b:s11+s21], $0x3080, $0x38;
	[tilespmem:$0x1E800] =	vst v63  }
0x38: {  	_ =	swait.ge [sflag:s16], $0x3080  }
0x39: {  	[sflag:s16] =	ssyncset.done $0x0  }
0x3a: {  	s22 =	simm.s32 $0x3400;
	[sflag:s16] =	ssyncadd.s32 $0xFFFFCF80  }
0x3b: {  	[tilespmem:s22], [sflag:$0x2] =	stream.linear.gather [hbm4b:s12+s21], $0x3080, $0x38;
	[tilespmem:$0x1E800] =	vst v63  }
0x3c: {  	_ =	swait.ge [sflag:s16], $0x3080  }
0x3d: {  	[sflag:s16] =	ssyncset.done $0x0  }
0x3e: {  	[sflag:s16] =	ssyncadd.s32 $0xFFFFCF80  }
0x3f: {  	[tilespmem:s15], [sflag:$0x1] =	stream.indirect.gather [hbm4b:s4+s17], $0x80, s21, s17, $0xb8;
	[tilespmem:$0x1E800] =	vst v63  }
0x40: {  	p0 =	sne.s32 s5, $0x1;
	_ =	swait.ge [sflag:s18], $0x4000  }
.Ltmp1:
0x41: {  	[sflag:s18] =	ssyncset.done $0x0;
	(pc) =	sbr.rel @!p0 .LBB2_5-.Ltmp1, $4  }
0x42: {  	[sflag:s18] =	ssyncadd.s32 $0xFFFFC000  }
0x43: {  	[spmem:s2] =	stream.indirect.scatter.add.f32 [tilespmem:s15], [sflag:$0x2], $0x80, s22, s17, $0xb8;
	[tilespmem:$0x1E800] =	vst v63  }
0x44: {  	_ =	swait.ge [sflag:s16], $0x4000  }
0x45: {  	s23 =	sadd.s32 $0xFFFFFFFF, s5;
	[sflag:s16] =	ssyncset.done $0x0  }
.LBB2_4:
0x46: {  	[sflag:s16] =	ssyncadd.s32 $0xFFFFC000;
	s21 =	sadd.s32 $0x80, s21;
	s22 =	sadd.s32 $0x80, s22  }
0x47: {  	[tilespmem:s15], [sflag:$0x1] =	stream.indirect.gather [hbm4b:s4+s17], $0x80, s21, s17, $0xb8;
	[tilespmem:$0x1E800] =	vst v63  }
0x48: {  	p0 =	sne.s32 s23, $0x1;
	s23 =	sadd.s32 $0xFFFFFFFF, s23;
	_ =	swait.ge [sflag:s18], $0x4000  }
.Ltmp2:
0x49: {  	[sflag:s18] =	ssyncset.done $0x0;
	(pc) =	sbr.rel @p0 .LBB2_4-.Ltmp2, $4  }
0x4a: {  	[sflag:s18] =	ssyncadd.s32 $0xFFFFC000  }
0x4b: {  	[spmem:s2] =	stream.indirect.scatter.add.f32 [tilespmem:s15], [sflag:$0x2], $0x80, s22, s17, $0xb8;
	[tilespmem:$0x1E800] =	vst v63  }
0x4c: {  	_ =	swait.ge [sflag:s16], $0x4000  }
0x4d: {  	[sflag:s16] =	ssyncset.done $0x0  }
.LBB2_5:
0x4e: {  	s3 =	sadd.s32 $0x1, s3  }
0x4f: {  	[sflag:s16] =	ssyncadd.s32 $0xFFFFC000;
	p0 =	sne.s32 s3, s14  }
.Ltmp3:
0x50: {  	[bflag:$0x0] =	sbarrier.arrive $0xFFFF;
	(pc) =	sbr.rel @p0 .LBB2_1-.Ltmp3, $4  }
0x51: {  	[hbm:s13], [sflag:s19] =	dma.local [spmem:s20], $0x2800  }
0x52: {  	_ =	swait.ge [sflag:s16], $0x2800  }
0x53: {  	[sflag:s16] =	ssyncset.done $0x0  }
0x54: {  	[sflag:s16] =	ssyncadd.s32 $0xFFFFD800  }
0x55: {  	_ =	sfence.sel $0x180000  }
0x56: {  	[bflag:$0x0] =	sbarrier.arrive $0xFFFF  }
0x57: {  	p0 =	sne.s32 s1, $0x0;
	_ =	strace $0x9000004A  }
0x58: {  	s0 =	sadd.s32 @!p0 $0x100000, s0;
	[bflag:$0x2] =	sbarrier.arrive $0xFFFF  }
0x59: {  	[sflag:s0] =	ssyncadd.tile.s32 @!p0 $0x1;
	_ =	shalt  }
.Lfunc_end2:
_tile_overlayer_lowered:
.L_overlay_start_2:
0x5a: {  	(tag) =	ssettag $0x2  }
0x5b: {  	s0 =	rddreg [dreg:$0x0];
	s2 =	stileid.u32  }
0x5c: {  	s1 =	rddreg [dreg:$0x1];
	p0 =	sne.s32 s2, $0x0  }
0x5d: {  	s3 =	rddreg [dreg:$0x2];
	[bflag:$0x3] =	sbarrier.arrive $0xFFFF;
	s2 =	simm.s32 @!p0 $0x1C02  }
0x5e: {  	[timem:s3], [sflag:s2] =	dma.local @!p0 [hbm:s0], s1  }
0x5f: {  	s0 =	simm.s32 @!p0 $0x2  }
0x60: {  	_ =	swait.ge @!p0 [sflag:s0], s1  }
0x61: {  	s1 =	ssub.s32 @!p0 $0x0, s1;
	[sflag:s0] =	ssyncset.done @!p0 $0x0  }
0x62: {  	[sflag:s0] =	ssyncadd.s32 @!p0 s1  }
0x63: {  	[bflag:$0x3] =	sbarrier.arrive $0xFFFF  }
0x64: {  	_ =	shalt  }

// kernel: kernel.14.cloned.1.call-start
scs
__scs_entry_jumppad:
0x0: {  	(pc) =	sbr.rel $0x88, $3  }
0x1: {  	(tag) =	ssettag $0x0;
	lr =	simm.s32 $0x1  }
0x2: {  	[smem:$0x3F8C] =	sst lr;
	_ =	strace $0xD0000000  }
0x3: {  	_ = 	snop  }
0x4: {  	_ = 	snop  }
0x5: {  	_ = 	snop  }
0x6: {  	_ = 	snop  }
0x7: {  	_ = 	snop  }
__scs_overlays_trampoline_lowered:
0x8: {  	[smem:$0x3F9B] =	sst s0  }
0x9: {  	[smem:$0x3F9C] =	sst s1  }
0xa: {  	[smem:$0x3F9D] =	sst s2  }
0xb: {  	[smem:$0x3F9E] =	sst s3  }
0xc: {  	[smem:$0x3F9F] =	sst s4  }
0xd: {  	[smem:$0x3FA0] =	sst s5  }
0xe: {  	[smem:$0x3FA1] =	sst s6  }
0xf: {  	[smem:$0x3FA2] =	sst s7  }
0x10: {  	[smem:$0x3FA3] =	sst s8  }
0x11: {  	[smem:$0x3FA4] =	sst s9;
	s0 =	simm.s32 @!p0 $0x0  }
0x12: {  	s1 =	sld [smem:$0x3F8A];
	s0 =	simm.s32 @p0 $0x1  }
0x13: {  	[smem:$0x3FA5] =	sst s0;
	s0 =	simm.s32 @!p1 $0x0  }
0x14: {  	s2 =	sld [smem:$0x3F89];
	s0 =	simm.s32 @p1 $0x1  }
0x15: {  	[smem:$0x3FA6] =	sst s0;
	s0 =	simm.s32 @!p2 $0x0  }
0x16: {  	s3 =	sld [smem:$0x3FDB];
	s0 =	simm.s32 @p2 $0x1  }
0x17: {  	s4 =	simm.s32 $0x1BF5;
	[smem:$0x3FA8] =	sst s0  }
0x18: {  	s0 =	sld [smem:$0x3F8B];
	_ =	swait.ge [sflag:s4], $0x0  }
0x19: {  	s7 =	sld [smem:$0x3F8C]  }
0x1a: {  	s8 =	sadd.s32 $0xFFFFE003, lr  }
0x1b: {  	s9 =	sadd.s32 $0xFFFFFEF7, lr;
	s5 =	simm.s32 $0xFFFFFFFF;
	p2 =	slt.u32 s8, $0xFFFFF086  }
0x1c: {  	p1 =	slt.u32 s9, $0xF7A;
	s5 =	simm.s32 @!p2 $0x0  }
0x1d: {  	s5 =	simm.s32 @p1 $0x1;
	p0 =	seq.s32 s7, s2  }
0x1e: {  	s7 =	smul.u32 @!p0 $0xF7A, s2;
	p2 =	seq.s32 @!p0 s5, $0x0  }
0x1f: {  	s9 =	smul.u32 $0xF7A, s1;
	s8 =	simm.s32 @!p0 $0x1BF5;
	p2 =	por !p2, p0  }
0x20: {  	[sflag:s8] =	ssyncset.s32 @!p0 $0xFFFFF086;
	s6 =	sadd.s32 @!p0 s3, s7;
	s7 =	simm.s32 @!p0 $0x108  }
0x21: {  	s3 =	sadd.s32 s3, s9;
	s6 =	sadd.s32 @!p0 $0x88, s6;
	s7 =	simm.s32 @p2 $0x1082  }
0x22: {  	[simem:s7], [sflag:s8] =	dma.local @!p0 [hbm:s6], $0xF7A  }
0x23: {  	s9 =	sor.u32 $0xD0000000, s2;
	s6 =	simm.s32 $0x108;
	_ =	swait.ge @!p0 [sflag:s8], $0x0  }
0x24: {  	s3 =	sadd.s32 $0x88, s3;
	s6 =	simm.s32 @!p1 $0x1082;
	[sflag:s4] =	ssyncset.s32 $0xFFFFF086  }
0x25: {  	[simem:s6], [sflag:s4] =	dma.local [hbm:s3], $0xF7A  }
0x26: {  	[smem:$0x3F8C] =	sst s1;
	(tag) =	ssettag s2;
	_ =	strace s9  }
0x27: {  	s1 =	sld [smem:$0x3F9C]  }
0x28: {  	s2 =	sld [smem:$0x3F9D]  }
0x29: {  	s4 =	sld [smem:$0x3F9F]  }
0x2a: {  	p0 =	seq.s32 s5, $0x0;
	s5 =	sld [smem:$0x3FA0]  }
0x2b: {  	s6 =	sld [smem:$0x3FA1]  }
0x2c: {  	s7 =	sld [smem:$0x3FA2]  }
0x2d: {  	s3 =	simm.s32 $0x108;
	s8 =	sld [smem:$0x3FA3]  }
0x2e: {  	s3 =	simm.s32 @!p0 $0x1082;
	s9 =	sld [smem:$0x3FA4]  }
0x2f: {  	lr =	sadd.s32 s0, s3;
	s0 =	sld [smem:$0x3F9B]  }
0x30: {  	s3 =	sld [smem:$0x3F9E]  }
0x31: {  	[smem:$0x3FA7] =	sst s10  }
0x32: {  	s10 =	sld [smem:$0x3FA5];
	_ =	sdelay $0x3  }
0x33: {  	p0 =	seq.s32 s10, $0x1;
	s10 =	sld [smem:$0x3FA7];
	_ =	sdelay $0x3  }
0x34: {  	[smem:$0x3FA7] =	sst s10  }
0x35: {  	s10 =	sld [smem:$0x3FA6];
	_ =	sdelay $0x3  }
0x36: {  	p1 =	seq.s32 s10, $0x1;
	s10 =	sld [smem:$0x3FA7];
	_ =	sdelay $0x3  }
0x37: {  	[smem:$0x3FA7] =	sst s10  }
0x38: {  	s10 =	sld [smem:$0x3FA8]  }
0x39: {  	_ = 	snop;
	(pc) =	sbr.ind lr, $3  }
0x3a: {  	_ = 	snop  }
0x3b: {  	_ = 	snop  }
0x3c: {  	p2 =	seq.s32 s10, $0x1;
	s10 =	sld [smem:$0x3FA7]  }
0x3d: {  	_ =	shalt  }
0x3e: {  	_ =	shalt  }
0x3f: {  	_ =	shalt  }
0x40: {  	_ =	shalt  }
0x41: {  	_ =	shalt  }
0x42: {  	_ =	shalt  }
0x43: {  	_ =	shalt  }
0x44: {  	_ =	shalt  }
0x45: {  	_ =	shalt  }
0x46: {  	_ =	shalt  }
0x47: {  	_ =	shalt  }
0x48: {  	_ =	shalt  }
0x49: {  	_ =	shalt  }
0x4a: {  	_ =	shalt  }
0x4b: {  	_ =	shalt  }
0x4c: {  	_ =	shalt  }
0x4d: {  	_ =	shalt  }
0x4e: {  	_ =	shalt  }
0x4f: {  	_ =	shalt  }
0x50: {  	_ =	shalt  }
0x51: {  	_ =	shalt  }
0x52: {  	_ =	shalt  }
0x53: {  	_ =	shalt  }
0x54: {  	_ =	shalt  }
0x55: {  	_ =	shalt  }
0x56: {  	_ =	shalt  }
0x57: {  	_ =	shalt  }
0x58: {  	_ =	shalt  }
0x59: {  	_ =	shalt  }
0x5a: {  	_ =	shalt  }
0x5b: {  	_ =	shalt  }
0x5c: {  	_ =	shalt  }
0x5d: {  	_ =	shalt  }
0x5e: {  	_ =	shalt  }
0x5f: {  	_ =	shalt  }
0x60: {  	_ =	shalt  }
0x61: {  	_ =	shalt  }
0x62: {  	_ =	shalt  }
0x63: {  	_ =	shalt  }
0x64: {  	_ =	shalt  }
0x65: {  	_ =	shalt  }
0x66: {  	_ =	shalt  }
0x67: {  	_ =	shalt  }
0x68: {  	_ =	shalt  }
0x69: {  	_ =	shalt  }
0x6a: {  	_ =	shalt  }
0x6b: {  	_ =	shalt  }
0x6c: {  	_ =	shalt  }
0x6d: {  	_ =	shalt  }
0x6e: {  	_ =	shalt  }
0x6f: {  	_ =	shalt  }
0x70: {  	_ =	shalt  }
0x71: {  	_ =	shalt  }
0x72: {  	_ =	shalt  }
0x73: {  	_ =	shalt  }
0x74: {  	_ =	shalt  }
0x75: {  	_ =	shalt  }
0x76: {  	_ =	shalt  }
0x77: {  	_ =	shalt  }
0x78: {  	_ =	shalt  }
0x79: {  	_ =	shalt  }
0x7a: {  	_ =	shalt  }
0x7b: {  	_ =	shalt  }
0x7c: {  	_ =	shalt  }
0x7d: {  	_ =	shalt  }
0x7e: {  	_ =	shalt  }
0x7f: {  	_ =	shalt  }
0x80: {  	_ =	shalt  }
0x81: {  	_ =	shalt  }
0x82: {  	_ =	shalt  }
0x83: {  	_ =	shalt  }
0x84: {  	_ =	shalt  }
0x85: {  	_ =	shalt  }
0x86: {  	_ =	shalt  }
0x87: {  	_ =	shalt  }
.Lfunc_end0:
.L_simem_size_0:
called_computation.2_lowered:
.L_overlay_start_0:
0x88: {  	s2 =	sld [smem:$0x3FD9]  }
0x89: {  	s3 =	sld [smem:$0x3FFE];
	_ =	sdelay $0x1  }
0x8a: {  	s1 =	srdreg.scid  }
0x8b: {  	s0 =	sand.u32 $0x1, s1  }
0x8c: {  	s14 =	sshll.u32 s0, $0xA;
	s2 =	sadd.s32 s3, s2  }
0x8d: {  	s2 =	sadd.s32 s2, s14  }
0x8e: {  	[smem:$0x3FB3] =	sst s2  }
0x8f: {  	_ = 	snop  }
0x90: {  	s2 =	sld [smem:$0x3FD0];
	_ =	sdelay $0x2  }
0x91: {  	s15 =	simm.s32 $0xA;
	s4 =	simm.s32 $0x10  }
0x92: {  	[smem:s4], [sflag:s15] =	dma.local [hbm:s2], $0x1  }
0x93: {  	_ =	swait.eq [sflag:s15], $0x1  }
0x94: {  	[sflag:s15] =	ssyncset.done $0x0  }
0x95: {  	[sflag:s15] =	ssyncadd.s32 $0xFFFFFFFF  }
0x96: {  	s16 =	sld [smem:$0x10];
	(tm) =	ssettm $0x1  }
0x97: {  	s17 =	sld [smem:$0x3FFB];
	_ =	sdelay $0x3  }
0x98: {  	_ =	strace s17  }
0x99: {  	s3 =	sld [smem:$0x3FFC];
	_ =	sdelay $0x3  }
0x9a: {  	_ =	strace s3  }
0x9b: {  	s3 =	sld [smem:$0x3FFD];
	_ =	sdelay $0x3  }
0x9c: {  	_ =	strace s3  }
0x9d: {  	_ =	strace $0x8FFFFFFF  }
0x9e: {  	s18 =	sld [smem:$0x3FDB];
	_ =	sdelay $0x1  }
0x9f: {  	s19 =	simm.s32 $_scs_section_size  }
0xa0: {  	s5 =	simm.s32 $_size__tile_overlayer_lowered;
	s6 =	simm.s32 $_tile_overlayer_lowered  }
0xa1: {  	s22 =	simm.s32 $0x1BFF;
	s21 =	sshll.u32 s6, $0x1;
	s3 =	sadd.s32 s19, s18  }
0xa2: {  	s7 =	simm.s32 $0x0;
	s20 =	sshll.u32 s5, $0x1;
	s5 =	sadd.s32 s21, s3  }
0xa3: {  	[timem:s7], [sflag:s22] =	dma.local [hbm:s5], s20  }
0xa4: {  	_ =	swait.ge [sflag:s22], s20  }
0xa5: {  	s4 =	ssub.s32 $0x0, s20;
	[sflag:s22] =	ssyncset.done $0x0  }
0xa6: {  	[sflag:s22] =	ssyncadd.s32 s4;
	_ =	sdelay $0x1  }
0xa7: {  	s23 =	simm.s32 $0x1B8B  }
0xa8: {  	_ =	swait.ge [sflag:s23], $0x1  }
0xa9: {  	[sflag:s23] =	ssyncset.done $0x0  }
0xaa: {  	s25 =	simm.s32 $0x1B8E;
	s24 =	sld [smem:$0x3FFE];
	[sflag:s23] =	ssyncadd.s32 $0xFFFFFFFF  }
0xab: {  	s26 =	simm.s32 $execute0_lowered;
	[smem:$0x3FD2] =	sst s25  }
0xac: {  	s5 =	sshll.u32 s26, $0x1;
	_ =	strace $0x8000004C;
	[dreg:$0x1] =	wrdreg $0xFFFFFFFF  }
0xad: {  	s28 =	simm.s32 $_size_execute0_lowered;
	s3 =	sadd.s32 s3, s5;
	[dreg:$0x0] =	wrdreg $0x0  }
0xae: {  	s5 =	sshll.u32 s28, $0x1;
	[dreg:$0x2] =	wrdreg s3  }
0xaf: {  	[dreg:$0x3] =	wrdreg s5  }
0xb0: {  	[dreg:$0x4] =	wrdreg $0xC0  }
0xb1: {  	_ =	task [dreg:s7], $0x5FFFF  }
0xb2: {  	[dreg:$0x1] =	wrdreg $0xFFFFFFFF  }
0xb3: {  	[dreg:$0x0] =	wrdreg $0x60  }
0xb4: {  	[dreg:$0x2] =	wrdreg s24  }
0xb5: {  	[dreg:$0x3] =	wrdreg s16  }
0xb6: {  	[dreg:$0x4] =	wrdreg $0xA8000  }
0xb7: {  	[dreg:$0x5] =	wrdreg $0x9  }
0xb8: {  	_ =	task.clear_ibuf [dreg:s7], $0x6FFFF;
	_ =	strace $0x9000004C  }
0xb9: {  	s29 =	simm.s32 $0x9;
	_ =	strace $0x8000004E  }
0xba: {  	_ =	swait.ge [sflag:s29], $0x1  }
0xbb: {  	[sflag:s29] =	ssyncadd.s32 $0xFFFFFFFF  }
0xbc: {  	_ =	strace $0x9000004E  }
0xbd: {  	_ =	sfence  }
0xbe: {  	s30 =	sld [smem:$0x0];
	_ =	sdelay $0x2  }
0xbf: {  	s31 =	sshll.u32 s1, $0xD;
	s1 =	sshrl.u32 s1, $0x2  }
0xc0: {  	s3 =	sand.u32 $0x4000, s31;
	s1 =	sadd.s32 s1, s30  }
0xc1: {  	s0 =	sor.u32 s3, s0;
	s1 =	sshll.u32 s1, $0x11  }
0xc2: {  	s0 =	sor.u32 s1, s0  }
0xc3: {  	s0 =	sadd.s32 $0x8F2B, s0  }
0xc4: {  	[sflag:s0] =	ssyncadd.remote.s32 $0x1  }
0xc5: {  	_ =	sfence.sel $0xFFFF  }
0xc6: {  	[dreg:$0x0] =	wrdreg $0xFFFFFFFF;
	(pc) =	sbr.abs _section_cstart, $3  }
0xc7: {  	[dreg:$0x1] =	wrdreg $0xFFFFFFFF  }
0xc8: {  	_ =	task.clear_ibuf [dreg:s7], $0x2FFFF;
	_ =	strace $0x9FFFFFFF  }
0xc9: {  	(tm) =	ssettm $0x7FFFFFFF  }
tec
execute0_lowered:
.L_overlay_start_1:
0x0: {  	(tag) =	ssettag $0x1  }
0x1: {  	s5 =	rddreg [dreg:$0x0]  }
0x2: {  	s13 =	rddreg [dreg:$0x1]  }
0x3: {  	s0 =	srdreg.scid;
	s2 =	rddreg [dreg:$0x2]  }
0x4: {  	s1 =	stileid.u32;
	s3 =	simm.s32 $0x0;
	s16 =	simm.s32 $0x2  }
0x5: {  	s17 =	simm.s32 $0x80;
	s6 =	sand.u32 $0x1, s0;
	s0 =	rddreg [dreg:$0x3]  }
0x6: {  	s18 =	simm.s32 $0x1;
	[smem:$0x7FF] =	sst s3;
	s10 =	smul.u32 $0x50000, s1  }
0x7: {  	s15 =	smul.u32 $0x14000, s1;
	s19 =	sshll.u32 s1, $0x6;
	s4 =	sshll.u32 s6, $0x4  }
0x8: {  	s8 =	ssub.s32 $0x2, s6;
	_ =	strace $0x8000004D;
	p0 =	seq.s32 s6, $0x0  }
0x9: {  	s11 =	smul.u32 $0x140000, s6;
	s19 =	sor.u32 $0x1C02, s19;
	s4 =	sor.u32 s1, s4  }
0xa: {  	s9 =	sshrl.u32 s8, $0x1;
	s31 =	sshrl.u32 s10, $0x2;
	s7 =	smul.u32 $0x680, s4  }
0xb: {  	s4 =	sadd.s32 $0x1FE00, s5;
	s14 =	ssub.s32 s8, s9;
	s6 =	sadd.s32 s31, s2  }
0xc: {  	s15 =	sadd.s32 s15, s11;
	s8 =	sadd.s32 $0x8000, s6;
	s9 =	sadd.s32 $0xC000, s6  }
0xd: {  	s10 =	sadd.s32 $0x10000, s6;
	s15 =	sshrl.u32 s15, $0x3;
	s14 =	smax.u32 s14, $0x1  }
0xe: {  	s20 =	sshrl.u32 s6, $0x3;
	s12 =	sadd.s32 s7, s5;
	s5 =	simm.s32 $0x61  }
0xf: {  	s7 =	sadd.s32 $0x4000, s6;
	s13 =	sadd.s32 s13, s15;
	s15 =	simm.s32 $0x6800  }
0x10: {  	v0 =	vimm.f32 $0.0e+00;
	s5 =	simm.s32 @!p0 $0x3C;
	s11 =	sadd.s32 $0x12E00, s12;
	s12 =	sadd.s32 $0x5E00, s12  }
.LBB2_1:
0x11: {  	s21 =	simm.s32 $0x0;
	s22 =	simm.s32 $0x200  }
.LBB2_2:
0x12: {  	p0 =	sne.s32 s22, $0xFE00;
	[tilespmem:s21+$0x6870] =	vst v0  }
0x13: {  	[tilespmem:s21+$0x6800] =	vst v0  }
0x14: {  	[tilespmem:s21+$0x6810] =	vst v0  }
.Ltmp0:
0x15: {  	[tilespmem:s21+$0x6820] =	vst v0;
	(pc) =	sbr.rel @p0 .LBB2_2-.Ltmp0, $4  }
0x16: {  	[tilespmem:s21+$0x6830] =	vst v0  }
0x17: {  	[tilespmem:s21+$0x6840] =	vst v0  }
0x18: {  	[tilespmem:s21+$0x6850] =	vst v0  }
0x19: {  	[tilespmem:s21+$0x6860] =	vst v0;
	s21 =	sshra.s32 s22, $0x2;
	s22 =	sadd.s32 $0x200, s22  }
0x1a: {  	[tilespmem:s21+$0x6870] =	vst v0  }
0x1b: {  	[tilespmem:s21+$0x6800] =	vst v0  }
0x1c: {  	[tilespmem:s21+$0x6810] =	vst v0  }
0x1d: {  	[tilespmem:s21+$0x6820] =	vst v0  }
0x1e: {  	[tilespmem:s21+$0x6830] =	vst v0  }
0x1f: {  	[tilespmem:s21+$0x6840] =	vst v0  }
0x20: {  	[tilespmem:s21+$0x6850] =	vst v0  }
0x21: {  	[tilespmem:s21+$0x6860] =	vst v0  }
0x22: {  	[spmem:s6] =	stream.linear.scatter [tilespmem:s15], [sflag:$0x2], $0x4000, $0x38;
	[tilespmem:$0x1E800] =	vst v63  }
0x23: {  	_ =	swait.ge [sflag:s16], $0x4000  }
0x24: {  	[sflag:s16] =	ssyncset.done $0x0  }
0x25: {  	[sflag:s16] =	ssyncadd.s32 $0xFFFFC000  }
0x26: {  	[spmem:s7] =	stream.linear.scatter [tilespmem:s15], [sflag:$0x2], $0x4000, $0x38;
	[tilespmem:$0x1E800] =	vst v63  }
0x27: {  	_ =	swait.ge [sflag:s16], $0x4000  }
0x28: {  	[sflag:s16] =	ssyncset.done $0x0  }
0x29: {  	[sflag:s16] =	ssyncadd.s32 $0xFFFFC000  }
0x2a: {  	[spmem:s8] =	stream.linear.scatter [tilespmem:s15], [sflag:$0x2], $0x4000, $0x38;
	[tilespmem:$0x1E800] =	vst v63  }
0x2b: {  	_ =	swait.ge [sflag:s16], $0x4000  }
0x2c: {  	[sflag:s16] =	ssyncset.done $0x0  }
0x2d: {  	[sflag:s16] =	ssyncadd.s32 $0xFFFFC000  }
0x2e: {  	[spmem:s9] =	stream.linear.scatter [tilespmem:s15], [sflag:$0x2], $0x4000, $0x38;
	[tilespmem:$0x1E800] =	vst v63  }
0x2f: {  	_ =	swait.ge [sflag:s16], $0x4000  }
0x30: {  	[sflag:s16] =	ssyncset.done $0x0  }
0x31: {  	[sflag:s16] =	ssyncadd.s32 $0xFFFFC000  }
0x32: {  	[spmem:s10] =	stream.linear.scatter [tilespmem:s15], [sflag:$0x2], $0x4000, $0x38;
	[tilespmem:$0x1E800] =	vst v63  }
0x33: {  	_ =	swait.ge [sflag:s16], $0x4000  }
0x34: {  	[sflag:s16] =	ssyncset.done $0x0  }
0x35: {  	[sflag:s16] =	ssyncadd.s32 $0xFFFFC000  }
0x36: {  	s21 =	simm.s32 $0x0;
	[bflag:$0x0] =	sbarrier.arrive $0xFFFF  }
0x37: {  	[tilespmem:s21], [sflag:$0x2] =	stream.linear.gather [hbm4b:s11+s21], $0x3080, $0x38;
	[tilespmem:$0x1E800] =	vst v63  }
0x38: {  	_ =	swait.ge [sflag:s16], $0x3080  }
0x39: {  	[sflag:s16] =	ssyncset.done $0x0  }
0x3a: {  	s22 =	simm.s32 $0x3400;
	[sflag:s16] =	ssyncadd.s32 $0xFFFFCF80  }
0x3b: {  	[tilespmem:s22], [sflag:$0x2] =	stream.linear.gather [hbm4b:s12+s21], $0x3080, $0x38;
	[tilespmem:$0x1E800] =	vst v63  }
0x3c: {  	_ =	swait.ge [sflag:s16], $0x3080  }
0x3d: {  	[sflag:s16] =	ssyncset.done $0x0  }
0x3e: {  	[sflag:s16] =	ssyncadd.s32 $0xFFFFCF80  }
0x3f: {  	[tilespmem:s15], [sflag:$0x1] =	stream.indirect.gather [hbm4b:s4+s17], $0x80, s21, s17, $0xb8;
	[tilespmem:$0x1E800] =	vst v63  }
0x40: {  	p0 =	sne.s32 s5, $0x1;
	_ =	swait.ge [sflag:s18], $0x4000  }
.Ltmp1:
0x41: {  	[sflag:s18] =	ssyncset.done $0x0;
	(pc) =	sbr.rel @!p0 .LBB2_5-.Ltmp1, $4  }
0x42: {  	[sflag:s18] =	ssyncadd.s32 $0xFFFFC000  }
0x43: {  	[spmem:s2] =	stream.indirect.scatter.add.f32 [tilespmem:s15], [sflag:$0x2], $0x80, s22, s17, $0xb8;
	[tilespmem:$0x1E800] =	vst v63  }
0x44: {  	_ =	swait.ge [sflag:s16], $0x4000  }
0x45: {  	s23 =	sadd.s32 $0xFFFFFFFF, s5;
	[sflag:s16] =	ssyncset.done $0x0  }
.LBB2_4:
0x46: {  	[sflag:s16] =	ssyncadd.s32 $0xFFFFC000;
	s21 =	sadd.s32 $0x80, s21;
	s22 =	sadd.s32 $0x80, s22  }
0x47: {  	[tilespmem:s15], [sflag:$0x1] =	stream.indirect.gather [hbm4b:s4+s17], $0x80, s21, s17, $0xb8;
	[tilespmem:$0x1E800] =	vst v63  }
0x48: {  	p0 =	sne.s32 s23, $0x1;
	s23 =	sadd.s32 $0xFFFFFFFF, s23;
	_ =	swait.ge [sflag:s18], $0x4000  }
.Ltmp2:
0x49: {  	[sflag:s18] =	ssyncset.done $0x0;
	(pc) =	sbr.rel @p0 .LBB2_4-.Ltmp2, $4  }
0x4a: {  	[sflag:s18] =	ssyncadd.s32 $0xFFFFC000  }
0x4b: {  	[spmem:s2] =	stream.indirect.scatter.add.f32 [tilespmem:s15], [sflag:$0x2], $0x80, s22, s17, $0xb8;
	[tilespmem:$0x1E800] =	vst v63  }
0x4c: {  	_ =	swait.ge [sflag:s16], $0x4000  }
0x4d: {  	[sflag:s16] =	ssyncset.done $0x0  }
.LBB2_5:
0x4e: {  	s3 =	sadd.s32 $0x1, s3  }
0x4f: {  	[sflag:s16] =	ssyncadd.s32 $0xFFFFC000;
	p0 =	sne.s32 s3, s14  }
.Ltmp3:
0x50: {  	[bflag:$0x0] =	sbarrier.arrive $0xFFFF;
	(pc) =	sbr.rel @p0 .LBB2_1-.Ltmp3, $4  }
0x51: {  	[hbm:s13], [sflag:s19] =	dma.local [spmem:s20], $0x2800  }
0x52: {  	_ =	swait.ge [sflag:s16], $0x2800  }
0x53: {  	[sflag:s16] =	ssyncset.done $0x0  }
0x54: {  	[sflag:s16] =	ssyncadd.s32 $0xFFFFD800  }
0x55: {  	_ =	sfence.sel $0x180000  }
0x56: {  	[bflag:$0x0] =	sbarrier.arrive $0xFFFF  }
0x57: {  	p0 =	sne.s32 s1, $0x0;
	_ =	strace $0x9000004D  }
0x58: {  	s0 =	sadd.s32 @!p0 $0x100000, s0;
	[bflag:$0x2] =	sbarrier.arrive $0xFFFF  }
0x59: {  	[sflag:s0] =	ssyncadd.tile.s32 @!p0 $0x1;
	_ =	shalt  }
.Lfunc_end2:
_tile_overlayer_lowered:
.L_overlay_start_2:
0x5a: {  	(tag) =	ssettag $0x2  }
0x5b: {  	s0 =	rddreg [dreg:$0x0];
	s2 =	stileid.u32  }
0x5c: {  	s1 =	rddreg [dreg:$0x1];
	p0 =	sne.s32 s2, $0x0  }
0x5d: {  	s3 =	rddreg [dreg:$0x2];
	[bflag:$0x3] =	sbarrier.arrive $0xFFFF;
	s2 =	simm.s32 @!p0 $0x1C02  }
0x5e: {  	[timem:s3], [sflag:s2] =	dma.local @!p0 [hbm:s0], s1  }
0x5f: {  	s0 =	simm.s32 @!p0 $0x2  }
0x60: {  	_ =	swait.ge @!p0 [sflag:s0], s1  }
0x61: {  	s1 =	ssub.s32 @!p0 $0x0, s1;
	[sflag:s0] =	ssyncset.done @!p0 $0x0  }
0x62: {  	[sflag:s0] =	ssyncadd.s32 @!p0 s1  }
0x63: {  	[bflag:$0x3] =	sbarrier.arrive $0xFFFF  }
0x64: {  	_ =	shalt  }

// kernel: kernel.8.cloned.1.call-start
scs
__scs_entry_jumppad:
0x0: {  	(pc) =	sbr.rel $0x88, $3  }
0x1: {  	(tag) =	ssettag $0x0;
	lr =	simm.s32 $0x1  }
0x2: {  	[smem:$0x3F8C] =	sst lr;
	_ =	strace $0xD0000000  }
0x3: {  	_ = 	snop  }
0x4: {  	_ = 	snop  }
0x5: {  	_ = 	snop  }
0x6: {  	_ = 	snop  }
0x7: {  	_ = 	snop  }
__scs_overlays_trampoline_lowered:
0x8: {  	[smem:$0x3F9B] =	sst s0  }
0x9: {  	[smem:$0x3F9C] =	sst s1  }
0xa: {  	[smem:$0x3F9D] =	sst s2  }
0xb: {  	[smem:$0x3F9E] =	sst s3  }
0xc: {  	[smem:$0x3F9F] =	sst s4  }
0xd: {  	[smem:$0x3FA0] =	sst s5  }
0xe: {  	[smem:$0x3FA1] =	sst s6  }
0xf: {  	[smem:$0x3FA2] =	sst s7  }
0x10: {  	[smem:$0x3FA3] =	sst s8  }
0x11: {  	[smem:$0x3FA4] =	sst s9;
	s0 =	simm.s32 @!p0 $0x0  }
0x12: {  	s1 =	sld [smem:$0x3F8A];
	s0 =	simm.s32 @p0 $0x1  }
0x13: {  	[smem:$0x3FA5] =	sst s0;
	s0 =	simm.s32 @!p1 $0x0  }
0x14: {  	s2 =	sld [smem:$0x3F89];
	s0 =	simm.s32 @p1 $0x1  }
0x15: {  	[smem:$0x3FA6] =	sst s0;
	s0 =	simm.s32 @!p2 $0x0  }
0x16: {  	s3 =	sld [smem:$0x3FDB];
	s0 =	simm.s32 @p2 $0x1  }
0x17: {  	s4 =	simm.s32 $0x1BF5;
	[smem:$0x3FA8] =	sst s0  }
0x18: {  	s0 =	sld [smem:$0x3F8B];
	_ =	swait.ge [sflag:s4], $0x0  }
0x19: {  	s7 =	sld [smem:$0x3F8C]  }
0x1a: {  	s8 =	sadd.s32 $0xFFFFE003, lr  }
0x1b: {  	s9 =	sadd.s32 $0xFFFFFEF7, lr;
	s5 =	simm.s32 $0xFFFFFFFF;
	p2 =	slt.u32 s8, $0xFFFFF086  }
0x1c: {  	p1 =	slt.u32 s9, $0xF7A;
	s5 =	simm.s32 @!p2 $0x0  }
0x1d: {  	s5 =	simm.s32 @p1 $0x1;
	p0 =	seq.s32 s7, s2  }
0x1e: {  	s7 =	smul.u32 @!p0 $0xF7A, s2;
	p2 =	seq.s32 @!p0 s5, $0x0  }
0x1f: {  	s9 =	smul.u32 $0xF7A, s1;
	s8 =	simm.s32 @!p0 $0x1BF5;
	p2 =	por !p2, p0  }
0x20: {  	[sflag:s8] =	ssyncset.s32 @!p0 $0xFFFFF086;
	s6 =	sadd.s32 @!p0 s3, s7;
	s7 =	simm.s32 @!p0 $0x108  }
0x21: {  	s3 =	sadd.s32 s3, s9;
	s6 =	sadd.s32 @!p0 $0x88, s6;
	s7 =	simm.s32 @p2 $0x1082  }
0x22: {  	[simem:s7], [sflag:s8] =	dma.local @!p0 [hbm:s6], $0xF7A  }
0x23: {  	s9 =	sor.u32 $0xD0000000, s2;
	s6 =	simm.s32 $0x108;
	_ =	swait.ge @!p0 [sflag:s8], $0x0  }
0x24: {  	s3 =	sadd.s32 $0x88, s3;
	s6 =	simm.s32 @!p1 $0x1082;
	[sflag:s4] =	ssyncset.s32 $0xFFFFF086  }
0x25: {  	[simem:s6], [sflag:s4] =	dma.local [hbm:s3], $0xF7A  }
0x26: {  	[smem:$0x3F8C] =	sst s1;
	(tag) =	ssettag s2;
	_ =	strace s9  }
0x27: {  	s1 =	sld [smem:$0x3F9C]  }
0x28: {  	s2 =	sld [smem:$0x3F9D]  }
0x29: {  	s4 =	sld [smem:$0x3F9F]  }
0x2a: {  	p0 =	seq.s32 s5, $0x0;
	s5 =	sld [smem:$0x3FA0]  }
0x2b: {  	s6 =	sld [smem:$0x3FA1]  }
0x2c: {  	s7 =	sld [smem:$0x3FA2]  }
0x2d: {  	s3 =	simm.s32 $0x108;
	s8 =	sld [smem:$0x3FA3]  }
0x2e: {  	s3 =	simm.s32 @!p0 $0x1082;
	s9 =	sld [smem:$0x3FA4]  }
0x2f: {  	lr =	sadd.s32 s0, s3;
	s0 =	sld [smem:$0x3F9B]  }
0x30: {  	s3 =	sld [smem:$0x3F9E]  }
0x31: {  	[smem:$0x3FA7] =	sst s10  }
0x32: {  	s10 =	sld [smem:$0x3FA5];
	_ =	sdelay $0x3  }
0x33: {  	p0 =	seq.s32 s10, $0x1;
	s10 =	sld [smem:$0x3FA7];
	_ =	sdelay $0x3  }
0x34: {  	[smem:$0x3FA7] =	sst s10  }
0x35: {  	s10 =	sld [smem:$0x3FA6];
	_ =	sdelay $0x3  }
0x36: {  	p1 =	seq.s32 s10, $0x1;
	s10 =	sld [smem:$0x3FA7];
	_ =	sdelay $0x3  }
0x37: {  	[smem:$0x3FA7] =	sst s10  }
0x38: {  	s10 =	sld [smem:$0x3FA8]  }
0x39: {  	_ = 	snop;
	(pc) =	sbr.ind lr, $3  }
0x3a: {  	_ = 	snop  }
0x3b: {  	_ = 	snop  }
0x3c: {  	p2 =	seq.s32 s10, $0x1;
	s10 =	sld [smem:$0x3FA7]  }
0x3d: {  	_ =	shalt  }
0x3e: {  	_ =	shalt  }
0x3f: {  	_ =	shalt  }
0x40: {  	_ =	shalt  }
0x41: {  	_ =	shalt  }
0x42: {  	_ =	shalt  }
0x43: {  	_ =	shalt  }
0x44: {  	_ =	shalt  }
0x45: {  	_ =	shalt  }
0x46: {  	_ =	shalt  }
0x47: {  	_ =	shalt  }
0x48: {  	_ =	shalt  }
0x49: {  	_ =	shalt  }
0x4a: {  	_ =	shalt  }
0x4b: {  	_ =	shalt  }
0x4c: {  	_ =	shalt  }
0x4d: {  	_ =	shalt  }
0x4e: {  	_ =	shalt  }
0x4f: {  	_ =	shalt  }
0x50: {  	_ =	shalt  }
0x51: {  	_ =	shalt  }
0x52: {  	_ =	shalt  }
0x53: {  	_ =	shalt  }
0x54: {  	_ =	shalt  }
0x55: {  	_ =	shalt  }
0x56: {  	_ =	shalt  }
0x57: {  	_ =	shalt  }
0x58: {  	_ =	shalt  }
0x59: {  	_ =	shalt  }
0x5a: {  	_ =	shalt  }
0x5b: {  	_ =	shalt  }
0x5c: {  	_ =	shalt  }
0x5d: {  	_ =	shalt  }
0x5e: {  	_ =	shalt  }
0x5f: {  	_ =	shalt  }
0x60: {  	_ =	shalt  }
0x61: {  	_ =	shalt  }
0x62: {  	_ =	shalt  }
0x63: {  	_ =	shalt  }
0x64: {  	_ =	shalt  }
0x65: {  	_ =	shalt  }
0x66: {  	_ =	shalt  }
0x67: {  	_ =	shalt  }
0x68: {  	_ =	shalt  }
0x69: {  	_ =	shalt  }
0x6a: {  	_ =	shalt  }
0x6b: {  	_ =	shalt  }
0x6c: {  	_ =	shalt  }
0x6d: {  	_ =	shalt  }
0x6e: {  	_ =	shalt  }
0x6f: {  	_ =	shalt  }
0x70: {  	_ =	shalt  }
0x71: {  	_ =	shalt  }
0x72: {  	_ =	shalt  }
0x73: {  	_ =	shalt  }
0x74: {  	_ =	shalt  }
0x75: {  	_ =	shalt  }
0x76: {  	_ =	shalt  }
0x77: {  	_ =	shalt  }
0x78: {  	_ =	shalt  }
0x79: {  	_ =	shalt  }
0x7a: {  	_ =	shalt  }
0x7b: {  	_ =	shalt  }
0x7c: {  	_ =	shalt  }
0x7d: {  	_ =	shalt  }
0x7e: {  	_ =	shalt  }
0x7f: {  	_ =	shalt  }
0x80: {  	_ =	shalt  }
0x81: {  	_ =	shalt  }
0x82: {  	_ =	shalt  }
0x83: {  	_ =	shalt  }
0x84: {  	_ =	shalt  }
0x85: {  	_ =	shalt  }
0x86: {  	_ =	shalt  }
0x87: {  	_ =	shalt  }
.Lfunc_end0:
.L_simem_size_0:
called_computation_lowered:
.L_overlay_start_0:
0x88: {  	s2 =	sld [smem:$0x3FD9]  }
0x89: {  	s3 =	sld [smem:$0x3FFE];
	_ =	sdelay $0x1  }
0x8a: {  	s1 =	srdreg.scid  }
0x8b: {  	s0 =	sand.u32 $0x1, s1  }
0x8c: {  	s14 =	sshll.u32 s0, $0xA;
	s2 =	sadd.s32 s3, s2  }
0x8d: {  	s2 =	sadd.s32 s2, s14  }
0x8e: {  	[smem:$0x3FB3] =	sst s2  }
0x8f: {  	_ = 	snop  }
0x90: {  	s2 =	sld [smem:$0x3FD0];
	_ =	sdelay $0x2  }
0x91: {  	s4 =	simm.s32 $0xA;
	s5 =	simm.s32 $0x10;
	s15 =	sld [smem:$0x3FC9]  }
0x92: {  	[smem:s5], [sflag:s4] =	dma.local [hbm:s2], $0x1  }
0x93: {  	_ =	swait.eq [sflag:s4], $0x1  }
0x94: {  	[sflag:s4] =	ssyncset.done $0x0  }
0x95: {  	[sflag:s4] =	ssyncadd.s32 $0xFFFFFFFF  }
0x96: {  	s16 =	sld [smem:$0x10];
	(tm) =	ssettm $0x1  }
0x97: {  	s17 =	sld [smem:$0x3FFB];
	_ =	sdelay $0x3  }
0x98: {  	_ =	strace s17  }
0x99: {  	s4 =	sld [smem:$0x3FFC];
	_ =	sdelay $0x3  }
0x9a: {  	_ =	strace s4  }
0x9b: {  	s4 =	sld [smem:$0x3FFD];
	_ =	sdelay $0x3  }
0x9c: {  	_ =	strace s4  }
0x9d: {  	_ =	strace $0x8FFFFFFF  }
0x9e: {  	s18 =	sld [smem:$0x3FDB];
	_ =	sdelay $0x1  }
0x9f: {  	s19 =	simm.s32 $_scs_section_size  }
0xa0: {  	s6 =	simm.s32 $_size__tile_overlayer_lowered;
	s7 =	simm.s32 $_tile_overlayer_lowered  }
0xa1: {  	s22 =	simm.s32 $0x1BFF;
	s21 =	sshll.u32 s7, $0x1;
	s4 =	sadd.s32 s19, s18  }
0xa2: {  	s8 =	simm.s32 $0x0;
	s20 =	sshll.u32 s6, $0x1;
	s6 =	sadd.s32 s21, s4  }
0xa3: {  	[timem:s8], [sflag:s22] =	dma.local [hbm:s6], s20  }
0xa4: {  	_ =	swait.ge [sflag:s22], s20  }
0xa5: {  	s5 =	ssub.s32 $0x0, s20;
	[sflag:s22] =	ssyncset.done $0x0  }
0xa6: {  	[sflag:s22] =	ssyncadd.s32 s5;
	_ =	sdelay $0x1  }
0xa7: {  	s23 =	simm.s32 $0x1B8B  }
0xa8: {  	_ =	swait.ge [sflag:s23], $0x1  }
0xa9: {  	[sflag:s23] =	ssyncset.done $0x0  }
0xaa: {  	s25 =	simm.s32 $0x1B8E;
	s24 =	sld [smem:$0x3FFE];
	[sflag:s23] =	ssyncadd.s32 $0xFFFFFFFF  }
0xab: {  	s26 =	simm.s32 $execute0_lowered;
	[smem:$0x3FD2] =	sst s25  }
0xac: {  	s6 =	sshll.u32 s26, $0x1;
	_ =	strace $0x80000046;
	[dreg:$0x1] =	wrdreg $0xFFFFFFFF  }
0xad: {  	s28 =	simm.s32 $_size_execute0_lowered;
	s4 =	sadd.s32 s4, s6;
	[dreg:$0x0] =	wrdreg $0x0  }
0xae: {  	s6 =	sshll.u32 s28, $0x1;
	[dreg:$0x2] =	wrdreg s4  }
0xaf: {  	[dreg:$0x3] =	wrdreg s6  }
0xb0: {  	[dreg:$0x4] =	wrdreg $0xC0  }
0xb1: {  	_ =	task [dreg:s8], $0x5FFFF  }
0xb2: {  	[dreg:$0x1] =	wrdreg $0xFFFFFFFF  }
0xb3: {  	[dreg:$0x0] =	wrdreg $0x60  }
0xb4: {  	[dreg:$0x2] =	wrdreg s15  }
0xb5: {  	[dreg:$0x3] =	wrdreg s24  }
0xb6: {  	[dreg:$0x4] =	wrdreg s16  }
0xb7: {  	[dreg:$0x5] =	wrdreg $0xA8000  }
0xb8: {  	[dreg:$0x6] =	wrdreg $0x9  }
0xb9: {  	_ =	task.clear_ibuf [dreg:s8], $0x7FFFF;
	_ =	strace $0x90000046  }
0xba: {  	s29 =	simm.s32 $0x9;
	_ =	strace $0x80000048  }
0xbb: {  	_ =	swait.ge [sflag:s29], $0x1  }
0xbc: {  	[sflag:s29] =	ssyncadd.s32 $0xFFFFFFFF  }
0xbd: {  	_ =	strace $0x90000048  }
0xbe: {  	_ =	sfence  }
0xbf: {  	s30 =	sld [smem:$0x0];
	_ =	sdelay $0x2  }
0xc0: {  	s31 =	sshll.u32 s1, $0xD;
	s1 =	sshrl.u32 s1, $0x2  }
0xc1: {  	s3 =	sand.u32 $0x4000, s31;
	s1 =	sadd.s32 s1, s30  }
0xc2: {  	s0 =	sor.u32 s3, s0;
	s1 =	sshll.u32 s1, $0x11  }
0xc3: {  	s0 =	sor.u32 s1, s0  }
0xc4: {  	s0 =	sadd.s32 $0x8F2B, s0  }
0xc5: {  	[sflag:s0] =	ssyncadd.remote.s32 $0x1  }
0xc6: {  	_ =	sfence.sel $0xFFFF  }
0xc7: {  	[dreg:$0x0] =	wrdreg $0xFFFFFFFF;
	(pc) =	sbr.abs _section_cstart, $3  }
0xc8: {  	[dreg:$0x1] =	wrdreg $0xFFFFFFFF  }
0xc9: {  	_ =	task.clear_ibuf [dreg:s8], $0x2FFFF;
	_ =	strace $0x9FFFFFFF  }
0xca: {  	(tm) =	ssettm $0x7FFFFFFF  }
0xcb: {  	_ =	shalt  }
tec
execute0_lowered:
.L_overlay_start_1:
0x0: {  	(tag) =	ssettag $0x1  }
0x1: {  	s0 =	rddreg [dreg:$0x0]  }
0x2: {  	s5 =	rddreg [dreg:$0x1]  }
0x3: {  	s1 =	srdreg.scid;
	s13 =	rddreg [dreg:$0x2]  }
0x4: {  	s3 =	rddreg [dreg:$0x3];
	s2 =	stileid.u32;
	s16 =	simm.s32 $0x2  }
0x5: {  	s17 =	simm.s32 $0x80;
	s18 =	simm.s32 $0x1;
	s10 =	smul.u32 $0x50000, s2  }
0x6: {  	s6 =	sand.u32 $0x1, s1;
	s1 =	rddreg [dreg:$0x4];
	s15 =	smul.u32 $0x14000, s2  }
0x7: {  	s19 =	sshll.u32 s2, $0x6;
	s4 =	sshll.u32 s6, $0x4;
	s8 =	ssub.s32 $0x2, s6  }
0x8: {  	p0 =	seq.s32 s6, $0x0;
	s11 =	smul.u32 $0x140000, s6;
	s19 =	sor.u32 $0x1C02, s19  }
0x9: {  	s7 =	sor.u32 s2, s4;
	s4 =	simm.s32 $0x0;
	s9 =	sshrl.u32 s8, $0x1  }
0xa: {  	s31 =	sshrl.u32 s10, $0x2;
	s7 =	smul.u32 $0x680, s7;
	[smem:$0x7FF] =	sst s4  }
0xb: {  	s14 =	ssub.s32 s8, s9;
	s6 =	sadd.s32 s31, s3;
	s15 =	sadd.s32 s15, s11  }
0xc: {  	_ =	strace $0x80000047;
	s8 =	sadd.s32 $0x8000, s6;
	s9 =	sadd.s32 $0xC000, s6  }
0xd: {  	s10 =	sadd.s32 $0x10000, s6;
	s15 =	sshrl.u32 s15, $0x3;
	s14 =	smax.u32 s14, $0x1  }
0xe: {  	s20 =	sshrl.u32 s6, $0x3;
	s12 =	sadd.s32 s7, s5;
	s5 =	simm.s32 $0x61  }
0xf: {  	s7 =	sadd.s32 $0x4000, s6;
	s13 =	sadd.s32 s13, s15;
	s15 =	simm.s32 $0x6800  }
0x10: {  	v0 =	vimm.f32 $0.0e+00;
	s5 =	simm.s32 @!p0 $0x3C;
	s11 =	sadd.s32 $0x12E00, s12;
	s12 =	sadd.s32 $0x5E00, s12  }
.LBB2_1:
0x11: {  	s21 =	simm.s32 $0x0;
	s22 =	simm.s32 $0x200  }
.LBB2_2:
0x12: {  	p0 =	sne.s32 s22, $0xFE00;
	[tilespmem:s21+$0x6870] =	vst v0  }
0x13: {  	[tilespmem:s21+$0x6800] =	vst v0  }
0x14: {  	[tilespmem:s21+$0x6810] =	vst v0  }
.Ltmp0:
0x15: {  	[tilespmem:s21+$0x6820] =	vst v0;
	(pc) =	sbr.rel @p0 .LBB2_2-.Ltmp0, $4  }
0x16: {  	[tilespmem:s21+$0x6830] =	vst v0  }
0x17: {  	[tilespmem:s21+$0x6840] =	vst v0  }
0x18: {  	[tilespmem:s21+$0x6850] =	vst v0  }
0x19: {  	[tilespmem:s21+$0x6860] =	vst v0;
	s21 =	sshra.s32 s22, $0x2;
	s22 =	sadd.s32 $0x200, s22  }
0x1a: {  	[tilespmem:s21+$0x6870] =	vst v0  }
0x1b: {  	[tilespmem:s21+$0x6800] =	vst v0  }
0x1c: {  	[tilespmem:s21+$0x6810] =	vst v0  }
0x1d: {  	[tilespmem:s21+$0x6820] =	vst v0  }
0x1e: {  	[tilespmem:s21+$0x6830] =	vst v0  }
0x1f: {  	[tilespmem:s21+$0x6840] =	vst v0  }
0x20: {  	[tilespmem:s21+$0x6850] =	vst v0  }
0x21: {  	[tilespmem:s21+$0x6860] =	vst v0  }
0x22: {  	[spmem:s6] =	stream.linear.scatter [tilespmem:s15], [sflag:$0x2], $0x4000, $0x38;
	[tilespmem:$0x1E800] =	vst v63  }
0x23: {  	_ =	swait.ge [sflag:s16], $0x4000  }
0x24: {  	[sflag:s16] =	ssyncset.done $0x0  }
0x25: {  	[sflag:s16] =	ssyncadd.s32 $0xFFFFC000  }
0x26: {  	[spmem:s7] =	stream.linear.scatter [tilespmem:s15], [sflag:$0x2], $0x4000, $0x38;
	[tilespmem:$0x1E800] =	vst v63  }
0x27: {  	_ =	swait.ge [sflag:s16], $0x4000  }
0x28: {  	[sflag:s16] =	ssyncset.done $0x0  }
0x29: {  	[sflag:s16] =	ssyncadd.s32 $0xFFFFC000  }
0x2a: {  	[spmem:s8] =	stream.linear.scatter [tilespmem:s15], [sflag:$0x2], $0x4000, $0x38;
	[tilespmem:$0x1E800] =	vst v63  }
0x2b: {  	_ =	swait.ge [sflag:s16], $0x4000  }
0x2c: {  	[sflag:s16] =	ssyncset.done $0x0  }
0x2d: {  	[sflag:s16] =	ssyncadd.s32 $0xFFFFC000  }
0x2e: {  	[spmem:s9] =	stream.linear.scatter [tilespmem:s15], [sflag:$0x2], $0x4000, $0x38;
	[tilespmem:$0x1E800] =	vst v63  }
0x2f: {  	_ =	swait.ge [sflag:s16], $0x4000  }
0x30: {  	[sflag:s16] =	ssyncset.done $0x0  }
0x31: {  	[sflag:s16] =	ssyncadd.s32 $0xFFFFC000  }
0x32: {  	[spmem:s10] =	stream.linear.scatter [tilespmem:s15], [sflag:$0x2], $0x4000, $0x38;
	[tilespmem:$0x1E800] =	vst v63  }
0x33: {  	_ =	swait.ge [sflag:s16], $0x4000  }
0x34: {  	[sflag:s16] =	ssyncset.done $0x0  }
0x35: {  	[sflag:s16] =	ssyncadd.s32 $0xFFFFC000  }
0x36: {  	s21 =	simm.s32 $0x0;
	[bflag:$0x0] =	sbarrier.arrive $0xFFFF  }
0x37: {  	[tilespmem:s21], [sflag:$0x2] =	stream.linear.gather [hbm4b:s11+s21], $0x3080, $0x38;
	[tilespmem:$0x1E800] =	vst v63  }
0x38: {  	_ =	swait.ge [sflag:s16], $0x3080  }
0x39: {  	[sflag:s16] =	ssyncset.done $0x0  }
0x3a: {  	s22 =	simm.s32 $0x3400;
	[sflag:s16] =	ssyncadd.s32 $0xFFFFCF80  }
0x3b: {  	[tilespmem:s22], [sflag:$0x2] =	stream.linear.gather [hbm4b:s12+s21], $0x3080, $0x38;
	[tilespmem:$0x1E800] =	vst v63  }
0x3c: {  	_ =	swait.ge [sflag:s16], $0x3080  }
0x3d: {  	[sflag:s16] =	ssyncset.done $0x0  }
0x3e: {  	[sflag:s16] =	ssyncadd.s32 $0xFFFFCF80  }
0x3f: {  	[tilespmem:s15], [sflag:$0x1] =	stream.indirect.gather [hbm4b:s0+s17], $0x80, s21, s17, $0xb8;
	[tilespmem:$0x1E800] =	vst v63  }
0x40: {  	p0 =	sne.s32 s5, $0x1;
	_ =	swait.ge [sflag:s18], $0x4000  }
.Ltmp1:
0x41: {  	[sflag:s18] =	ssyncset.done $0x0;
	(pc) =	sbr.rel @!p0 .LBB2_5-.Ltmp1, $4  }
0x42: {  	[sflag:s18] =	ssyncadd.s32 $0xFFFFC000  }
0x43: {  	[spmem:s3] =	stream.indirect.scatter.add.f32 [tilespmem:s15], [sflag:$0x2], $0x80, s22, s17, $0xb8;
	[tilespmem:$0x1E800] =	vst v63  }
0x44: {  	_ =	swait.ge [sflag:s16], $0x4000  }
0x45: {  	s23 =	sadd.s32 $0xFFFFFFFF, s5;
	[sflag:s16] =	ssyncset.done $0x0  }
.LBB2_4:
0x46: {  	[sflag:s16] =	ssyncadd.s32 $0xFFFFC000;
	s21 =	sadd.s32 $0x80, s21;
	s22 =	sadd.s32 $0x80, s22  }
0x47: {  	[tilespmem:s15], [sflag:$0x1] =	stream.indirect.gather [hbm4b:s0+s17], $0x80, s21, s17, $0xb8;
	[tilespmem:$0x1E800] =	vst v63  }
0x48: {  	p0 =	sne.s32 s23, $0x1;
	s23 =	sadd.s32 $0xFFFFFFFF, s23;
	_ =	swait.ge [sflag:s18], $0x4000  }
.Ltmp2:
0x49: {  	[sflag:s18] =	ssyncset.done $0x0;
	(pc) =	sbr.rel @p0 .LBB2_4-.Ltmp2, $4  }
0x4a: {  	[sflag:s18] =	ssyncadd.s32 $0xFFFFC000  }
0x4b: {  	[spmem:s3] =	stream.indirect.scatter.add.f32 [tilespmem:s15], [sflag:$0x2], $0x80, s22, s17, $0xb8;
	[tilespmem:$0x1E800] =	vst v63  }
0x4c: {  	_ =	swait.ge [sflag:s16], $0x4000  }
0x4d: {  	[sflag:s16] =	ssyncset.done $0x0  }
.LBB2_5:
0x4e: {  	s4 =	sadd.s32 $0x1, s4  }
0x4f: {  	[sflag:s16] =	ssyncadd.s32 $0xFFFFC000;
	p0 =	sne.s32 s4, s14  }
.Ltmp3:
0x50: {  	[bflag:$0x0] =	sbarrier.arrive $0xFFFF;
	(pc) =	sbr.rel @p0 .LBB2_1-.Ltmp3, $4  }
0x51: {  	[hbm:s13], [sflag:s19] =	dma.local [spmem:s20], $0x2800  }
0x52: {  	_ =	swait.ge [sflag:s16], $0x2800  }
0x53: {  	[sflag:s16] =	ssyncset.done $0x0  }
0x54: {  	[sflag:s16] =	ssyncadd.s32 $0xFFFFD800  }
0x55: {  	_ =	sfence.sel $0x180000  }
0x56: {  	[bflag:$0x0] =	sbarrier.arrive $0xFFFF  }
0x57: {  	p0 =	sne.s32 s2, $0x0;
	_ =	strace $0x90000047  }
0x58: {  	s0 =	sadd.s32 @!p0 $0x100000, s1;
	[bflag:$0x2] =	sbarrier.arrive $0xFFFF  }
0x59: {  	[sflag:s0] =	ssyncadd.tile.s32 @!p0 $0x1;
	_ =	shalt  }
.Lfunc_end2:
_tile_overlayer_lowered:
.L_overlay_start_2:
0x5a: {  	(tag) =	ssettag $0x2  }
0x5b: {  	s0 =	rddreg [dreg:$0x0];
	s2 =	stileid.u32  }
0x5c: {  	s1 =	rddreg [dreg:$0x1];
	p0 =	sne.s32 s2, $0x0  }
0x5d: {  	s3 =	rddreg [dreg:$0x2];
	[bflag:$0x3] =	sbarrier.arrive $0xFFFF;
	s2 =	simm.s32 @!p0 $0x1C02  }
0x5e: {  	[timem:s3], [sflag:s2] =	dma.local @!p0 [hbm:s0], s1  }
0x5f: {  	s0 =	simm.s32 @!p0 $0x2  }
0x60: {  	_ =	swait.ge @!p0 [sflag:s0], s1  }
0x61: {  	s1 =	ssub.s32 @!p0 $0x0, s1;
	[sflag:s0] =	ssyncset.done @!p0 $0x0  }
0x62: {  	[sflag:s0] =	ssyncadd.s32 @!p0 s1  }
0x63: {  	[bflag:$0x3] =	sbarrier.arrive $0xFFFF  }
0x64: {  	_ =	shalt  }

</sc_bundles>
